<compile_context>
chip_gen: v7x
topology: tpu7x:2x2x1
jax: 0.10.2.dev20260603
libtpu: 0.0.44.dev20260713+nightly
codegen_flags: <defaults>
</compile_context>

<pallas_src>
import functools

import jax
import jax.numpy as jnp
from jax import lax
from jax.experimental import pallas as pl
from jax.experimental.pallas import tpu as pltpu
from jax.experimental.pallas import tpu_sc as plsc

B = 32
LQ = 32
LK = 2048
D = 1024
N_HEAD = 16
D_H = 64
FILT = 10
KSPLIT = 8
KC = D // KSPLIT
L = 16


def _scores_topk_kernel(q0_ref, k_ref, idx_ref, scores_ref):
    g = pl.program_id(0)
    prev_b = jnp.clip(g - 1, 0, B - 1)

    s = scores_ref[...]
    lin = (jax.lax.broadcasted_iota(jnp.int32, (16, 128), 0) * 128
           + jax.lax.broadcasted_iota(jnp.int32, (16, 128), 1))
    lane16 = jax.lax.broadcasted_iota(jnp.int32, (1, L), 1)
    picks = jnp.zeros((1, L), jnp.int32)
    for j in range(FILT):
        m = jnp.max(s)
        idx = jnp.min(jnp.where(s >= m, lin, jnp.int32(LK)))
        idx = jnp.minimum(idx, LK - 1)
        s = jnp.where(lin == idx, -jnp.inf, s)
        picks = jnp.where(lane16 == j, idx, picks)
    idx_ref[0] = picks + prev_b * LK

    q0_bf = q0_ref[0].astype(jnp.bfloat16)
    kb_bf = k_ref[0].astype(jnp.bfloat16)
    parts = []
    for c in range(KSPLIT):
        ksl = slice(c * KC, (c + 1) * KC)
        parts.append(jax.lax.dot_general(
            q0_bf[:, ksl], kb_bf[:, ksl], (((1,), (1,)), ((), ())),
            preferred_element_type=jnp.float32))
    snew = parts[0]
    for c in range(1, KSPLIT):
        snew = snew + parts[c]
    scores_ref[...] = jnp.concatenate(
        [snew[:, i * 128:(i + 1) * 128] for i in range(16)], axis=0)


def _sc_gather(idx_hbm, kflat_hbm, vflat_hbm, fk_hbm, fv_hbm,
               idxv, krows, vrows, sem):
    w = lax.axis_index("s") * 2 + lax.axis_index("c")
    pltpu.sync_copy(idx_hbm.at[w], idxv)
    pltpu.async_copy(kflat_hbm.at[idxv], krows, sem).wait()
    pltpu.async_copy(vflat_hbm.at[idxv], vrows, sem).wait()
    pltpu.sync_copy(krows, fk_hbm.at[w])
    pltpu.sync_copy(vrows, fv_hbm.at[w])


def _attn_kernel(q_ref, fk_ref, fv_ref, out_ref):
    qb = q_ref[0]
    kf = fk_ref[0, 0:FILT, :]
    vf = fv_ref[0, 0:FILT, :]
    for h in range(N_HEAD):
        sl = slice(h * D_H, (h + 1) * D_H)
        qh = qb[:, sl].astype(jnp.bfloat16)
        kh = kf[:, sl].astype(jnp.bfloat16)
        vh = vf[:, sl].astype(jnp.bfloat16)
        att = jax.lax.dot_general(qh, kh, (((1,), (1,)), ((), ())),
                                  preferred_element_type=jnp.float32)
        att = att - jnp.max(att, axis=1, keepdims=True)
        e = jnp.exp(att)
        p = (e / jnp.sum(e, axis=1, keepdims=True)).astype(jnp.bfloat16)
        out_ref[0, :, sl] = jax.lax.dot_general(
            p, vh, (((1,), (0,)), ((), ())),
            preferred_element_type=jnp.float32)


def kernel(q, k, v):
    q0t = q[:, 0:1, :]

    sidx = pl.pallas_call(
        _scores_topk_kernel,
        grid=(B + 1,),
        in_specs=[
            pl.BlockSpec((1, 1, D), lambda g: (jnp.minimum(g, B - 1), 0, 0)),
            pl.BlockSpec((1, LK, D), lambda g: (jnp.minimum(g, B - 1), 0, 0)),
        ],
        out_specs=pl.BlockSpec((1, 1, L), lambda g: (jnp.maximum(g - 1, 0),
                                                     0, 0)),
        out_shape=jax.ShapeDtypeStruct((B, 1, L), jnp.int32),
        scratch_shapes=[pltpu.VMEM((16, 128), jnp.float32)],
    )(q0t, k)

    mesh = plsc.VectorSubcoreMesh(core_axis_name="c", subcore_axis_name="s")
    sc = functools.partial(
        pl.kernel, mesh=mesh,
        out_type=[
            jax.ShapeDtypeStruct((B, L, D), jnp.float32),
            jax.ShapeDtypeStruct((B, L, D), jnp.float32),
        ],
        scratch_types=[
            pltpu.VMEM((L,), jnp.int32),
            pltpu.VMEM((L, D), jnp.float32),
            pltpu.VMEM((L, D), jnp.float32),
            pltpu.SemaphoreType.DMA,
        ],
    )(_sc_gather)
    f_k, f_v = sc(sidx.reshape(B, L), k.reshape(B * LK, D),
                  v.reshape(B * LK, D))

    out = pl.pallas_call(
        _attn_kernel,
        grid=(B,),
        in_specs=[
            pl.BlockSpec((1, LQ, D), lambda b: (b, 0, 0)),
            pl.BlockSpec((1, L, D), lambda b: (b, 0, 0)),
            pl.BlockSpec((1, L, D), lambda b: (b, 0, 0)),
        ],
        out_specs=pl.BlockSpec((1, LQ, D), lambda b: (b, 0, 0)),
        out_shape=jax.ShapeDtypeStruct((B, LQ, D), jnp.float32),
    )(q, f_k, f_v)
    return out

# --- scband reference (transcript-rebuilt; emitter-appended) ---
"""Pipeline reference for scband-prompt-generation-model-9887014715496 (READ-ONLY COPY).

The authoritative reference and input builder live on the scoring server;
editing this copy changes nothing except your own understanding.
"""

import jax, jax.numpy as jnp
import numpy as np

N_HEAD = 16
D_K = 64
D_V = 64
FILTERNUM = 10
TEMPERATURE = 1.0


def setup_inputs(seed: int = 0) -> dict:
    key = jax.random.key(seed)
    k1, k2, k3 = jax.random.split(key, 3)
    q = jax.random.normal(k1, (32, 32, 1024), dtype=jnp.float32)
    k = jax.random.normal(k2, (32, 2048, 1024), dtype=jnp.float32)
    v = jax.random.normal(k3, (32, 2048, 1024), dtype=jnp.float32)
    return {"q": q, "k": k, "v": v}


def reference(q, k, v):
    n_head, d_k, d_v, filternum = N_HEAD, D_K, D_V, FILTERNUM
    sz_b, len_q, _ = q.shape
    # attn = bmm(q, k^T) over full kv_len
    attn0 = jnp.einsum('bqd,bkd->bqk', q, k)
    # per-batch: sort attn[i, 0, :] descending, take top `filternum` key indices
    scores = attn0[:, 0, :]  # [B, kv_len]
    _, s_index = jax.lax.top_k(scores, filternum)  # [B, filternum]
    f_k = jnp.take_along_axis(k, s_index[:, :, None], axis=1)  # [B, filternum, dimen_k]
    f_v = jnp.take_along_axis(v, s_index[:, :, None], axis=1)  # [B, filternum, dimen_v]
    len_k = filternum
    len_v = filternum
    q4 = q.reshape(sz_b, len_q, n_head, d_k)
    k4 = f_k.reshape(sz_b, len_k, n_head, d_k)
    v4 = f_v.reshape(sz_b, len_v, n_head, d_v)
    qh = jnp.transpose(q4, (2, 0, 1, 3)).reshape(-1, len_q, d_k)
    kh = jnp.transpose(k4, (2, 0, 1, 3)).reshape(-1, len_k, d_k)
    vh = jnp.transpose(v4, (2, 0, 1, 3)).reshape(-1, len_v, d_v)
    attn = jnp.einsum('nqd,nkd->nqk', qh, kh) / TEMPERATURE
    attn = jax.nn.softmax(attn, axis=2)
    out = jnp.einsum('nqk,nkd->nqd', attn, vh)
    out = out.reshape(n_head, sz_b, len_q, d_v)
    out = jnp.transpose(out, (1, 2, 0, 3)).reshape(sz_b, len_q, -1)
    return out

if __name__ == "__main__":
    import jax
    _d = setup_inputs()
    print(jax.jit(kernel)(*tuple(_d.values())))

</pallas_src>

<mosaic_0001>
#map = affine_map<(d0, d1) -> (0, 0)>
#map1 = affine_map<(d0, d1) -> (0, 0, 0)>
module attributes {stable_mosaic.version = 14 : i64} {
  func.func @_sc_gather(%arg0: i32, %arg1: i32, %arg2: memref<32x16xi32, #tpu.memory_space<hbm>>, %arg3: memref<65536x1024xf32, #tpu.memory_space<hbm>>, %arg4: memref<65536x1024xf32, #tpu.memory_space<hbm>>, %arg5: memref<32x16x1024xf32, #tpu.memory_space<hbm>>, %arg6: memref<32x16x1024xf32, #tpu.memory_space<hbm>>, %arg7: memref<16xi32, #tpu.memory_space<vmem>>, %arg8: memref<16x1024xf32, #tpu.memory_space<vmem>>, %arg9: memref<16x1024xf32, #tpu.memory_space<vmem>>, %arg10: memref<!tpu.dma_semaphore, #tpu.memory_space<semaphore_mem>>) attributes {dimension_semantics = [#tpu.dimension_semantics<core_parallel>, #tpu.dimension_semantics<subcore_parallel>], iteration_bounds = array<i64: 2, 16>, scalar_prefetch = 0 : i64, scratch_operands = 4 : i64, tpu.core_type = #tpu.core_type<sc_vector_subcore>, window_params = [{transform_indices = #map}, {transform_indices = #map}, {transform_indices = #map}, {transform_indices = #map1}, {transform_indices = #map1}]} {
    %mul3A = arith.constant 2 : i32
    %mul3A_0 = arith.muli %arg1, %mul3A : i32
    %add3A = arith.addi %mul3A_0, %arg0 : i32
    "tpu.region"() ({
      %run_scoped3A = tpu.sem_alloc : memref<!tpu.dma_semaphore, #tpu.memory_space<semaphore_mem>>
      %dma_start3A_11 = arith.constant 0 : i32
      %dma_start3A_12 = tpu.memref_slice %arg2[%add3A, %dma_start3A_11] : memref<32x16xi32, #tpu.memory_space<hbm>> -> memref<1x16xi32, #tpu.memory_space<hbm>>
      %dma_start3A_13 = tpu.memref_squeeze %dma_start3A_12 : memref<1x16xi32, #tpu.memory_space<hbm>> -> memref<16xi32, #tpu.memory_space<hbm>>
      %dma_start3A_14 = arith.constant 0 : i32
      %dma_start3A_15 = tpu.memref_slice %arg2[%add3A, %dma_start3A_14] : memref<32x16xi32, #tpu.memory_space<hbm>> -> memref<1x16xi32, #tpu.memory_space<hbm>>
      %dma_start3A_16 = tpu.memref_squeeze %dma_start3A_15 : memref<1x16xi32, #tpu.memory_space<hbm>> -> memref<16xi32, #tpu.memory_space<hbm>>
      tpu.enqueue_dma source(%dma_start3A_16 : memref<16xi32, #tpu.memory_space<hbm>>) target(%arg7 : memref<16xi32, #tpu.memory_space<vmem>>) target_semaphore(%run_scoped3A : memref<!tpu.dma_semaphore, #tpu.memory_space<semaphore_mem>>)
      %dma_wait3A_17 = arith.constant 0 : i32
      %dma_wait3A_18 = tpu.memref_slice %arg2[%add3A, %dma_wait3A_17] : memref<32x16xi32, #tpu.memory_space<hbm>> -> memref<1x16xi32, #tpu.memory_space<hbm>>
      %dma_wait3A_19 = tpu.memref_squeeze %dma_wait3A_18 : memref<1x16xi32, #tpu.memory_space<hbm>> -> memref<16xi32, #tpu.memory_space<hbm>>
      %dma_wait3A_20 = arith.constant 0 : i32
      %dma_wait3A_21 = tpu.memref_slice %arg2[%add3A, %dma_wait3A_20] : memref<32x16xi32, #tpu.memory_space<hbm>> -> memref<1x16xi32, #tpu.memory_space<hbm>>
      %dma_wait3A_22 = tpu.memref_squeeze %dma_wait3A_21 : memref<1x16xi32, #tpu.memory_space<hbm>> -> memref<16xi32, #tpu.memory_space<hbm>>
      tpu.wait_dma2 semaphore(%run_scoped3A : memref<!tpu.dma_semaphore, #tpu.memory_space<semaphore_mem>>) src(%dma_wait3A_22 : memref<16xi32, #tpu.memory_space<hbm>>) dst(%arg7 : memref<16xi32, #tpu.memory_space<vmem>>)
      tpu.yield
    }) : () -> ()
    %dma_start3A = arith.constant 0 : i32
    %dma_start3A_1 = arith.constant 0 : i32
    %dma_start3A_2 = tpu.memref_slice %arg3[%dma_start3A, %dma_start3A_1] : memref<65536x1024xf32, #tpu.memory_space<hbm>> -> memref<65536x1024xf32, #tpu.memory_space<hbm>>
    tpu.enqueue_indirect_dma source(%dma_start3A_2 : memref<65536x1024xf32, #tpu.memory_space<hbm>>) target(%arg8 : memref<16x1024xf32, #tpu.memory_space<vmem>>) offsets(%arg7 : memref<16xi32, #tpu.memory_space<vmem>>) semaphore(%arg10 : memref<!tpu.dma_semaphore, #tpu.memory_space<semaphore_mem>>)
    %dma_wait3A = arith.constant 0 : i32
    %dma_wait3A_3 = arith.constant 0 : i32
    %dma_wait3A_4 = tpu.memref_slice %arg3[%dma_wait3A, %dma_wait3A_3] : memref<65536x1024xf32, #tpu.memory_space<hbm>> -> memref<65536x1024xf32, #tpu.memory_space<hbm>>
    tpu.wait_indirect_dma semaphore(%arg10 : memref<!tpu.dma_semaphore, #tpu.memory_space<semaphore_mem>>) src(%dma_wait3A_4 : memref<65536x1024xf32, #tpu.memory_space<hbm>>) dst(%arg8 : memref<16x1024xf32, #tpu.memory_space<vmem>>)
    %dma_start3A_5 = arith.constant 0 : i32
    %dma_start3A_6 = arith.constant 0 : i32
    %dma_start3A_7 = tpu.memref_slice %arg4[%dma_start3A_5, %dma_start3A_6] : memref<65536x1024xf32, #tpu.memory_space<hbm>> -> memref<65536x1024xf32, #tpu.memory_space<hbm>>
    tpu.enqueue_indirect_dma source(%dma_start3A_7 : memref<65536x1024xf32, #tpu.memory_space<hbm>>) target(%arg9 : memref<16x1024xf32, #tpu.memory_space<vmem>>) offsets(%arg7 : memref<16xi32, #tpu.memory_space<vmem>>) semaphore(%arg10 : memref<!tpu.dma_semaphore, #tpu.memory_space<semaphore_mem>>)
    %dma_wait3A_8 = arith.constant 0 : i32
    %dma_wait3A_9 = arith.constant 0 : i32
    %dma_wait3A_10 = tpu.memref_slice %arg4[%dma_wait3A_8, %dma_wait3A_9] : memref<65536x1024xf32, #tpu.memory_space<hbm>> -> memref<65536x1024xf32, #tpu.memory_space<hbm>>
    tpu.wait_indirect_dma semaphore(%arg10 : memref<!tpu.dma_semaphore, #tpu.memory_space<semaphore_mem>>) src(%dma_wait3A_10 : memref<65536x1024xf32, #tpu.memory_space<hbm>>) dst(%arg9 : memref<16x1024xf32, #tpu.memory_space<vmem>>)
    "tpu.region"() ({
      %run_scoped3A = tpu.sem_alloc : memref<!tpu.dma_semaphore, #tpu.memory_space<semaphore_mem>>
      %dma_start3A_11 = arith.constant 0 : i32
      %dma_start3A_12 = arith.constant 0 : i32
      %dma_start3A_13 = tpu.memref_slice %arg5[%add3A, %dma_start3A_11, %dma_start3A_12] : memref<32x16x1024xf32, #tpu.memory_space<hbm>> -> memref<1x16x1024xf32, #tpu.memory_space<hbm>>
      %dma_start3A_14 = tpu.memref_squeeze %dma_start3A_13 : memref<1x16x1024xf32, #tpu.memory_space<hbm>> -> memref<16x1024xf32, #tpu.memory_space<hbm>>
      %dma_start3A_15 = arith.constant 0 : i32
      %dma_start3A_16 = arith.constant 0 : i32
      %dma_start3A_17 = tpu.memref_slice %arg5[%add3A, %dma_start3A_15, %dma_start3A_16] : memref<32x16x1024xf32, #tpu.memory_space<hbm>> -> memref<1x16x1024xf32, #tpu.memory_space<hbm>>
      %dma_start3A_18 = tpu.memref_squeeze %dma_start3A_17 : memref<1x16x1024xf32, #tpu.memory_space<hbm>> -> memref<16x1024xf32, #tpu.memory_space<hbm>>
      tpu.enqueue_dma source(%arg8 : memref<16x1024xf32, #tpu.memory_space<vmem>>) target(%dma_start3A_18 : memref<16x1024xf32, #tpu.memory_space<hbm>>) target_semaphore(%run_scoped3A : memref<!tpu.dma_semaphore, #tpu.memory_space<semaphore_mem>>)
      %dma_wait3A_19 = arith.constant 0 : i32
      %dma_wait3A_20 = arith.constant 0 : i32
      %dma_wait3A_21 = tpu.memref_slice %arg5[%add3A, %dma_wait3A_19, %dma_wait3A_20] : memref<32x16x1024xf32, #tpu.memory_space<hbm>> -> memref<1x16x1024xf32, #tpu.memory_space<hbm>>
      %dma_wait3A_22 = tpu.memref_squeeze %dma_wait3A_21 : memref<1x16x1024xf32, #tpu.memory_space<hbm>> -> memref<16x1024xf32, #tpu.memory_space<hbm>>
      %dma_wait3A_23 = arith.constant 0 : i32
      %dma_wait3A_24 = arith.constant 0 : i32
      %dma_wait3A_25 = tpu.memref_slice %arg5[%add3A, %dma_wait3A_23, %dma_wait3A_24] : memref<32x16x1024xf32, #tpu.memory_space<hbm>> -> memref<1x16x1024xf32, #tpu.memory_space<hbm>>
      %dma_wait3A_26 = tpu.memref_squeeze %dma_wait3A_25 : memref<1x16x1024xf32, #tpu.memory_space<hbm>> -> memref<16x1024xf32, #tpu.memory_space<hbm>>
      tpu.wait_dma2 semaphore(%run_scoped3A : memref<!tpu.dma_semaphore, #tpu.memory_space<semaphore_mem>>) src(%arg8 : memref<16x1024xf32, #tpu.memory_space<vmem>>) dst(%dma_wait3A_26 : memref<16x1024xf32, #tpu.memory_space<hbm>>)
      tpu.yield
    }) : () -> ()
    "tpu.region"() ({
      %run_scoped3A = tpu.sem_alloc : memref<!tpu.dma_semaphore, #tpu.memory_space<semaphore_mem>>
      %dma_start3A_11 = arith.constant 0 : i32
      %dma_start3A_12 = arith.constant 0 : i32
      %dma_start3A_13 = tpu.memref_slice %arg6[%add3A, %dma_start3A_11, %dma_start3A_12] : memref<32x16x1024xf32, #tpu.memory_space<hbm>> -> memref<1x16x1024xf32, #tpu.memory_space<hbm>>
      %dma_start3A_14 = tpu.memref_squeeze %dma_start3A_13 : memref<1x16x1024xf32, #tpu.memory_space<hbm>> -> memref<16x1024xf32, #tpu.memory_space<hbm>>
      %dma_start3A_15 = arith.constant 0 : i32
      %dma_start3A_16 = arith.constant 0 : i32
      %dma_start3A_17 = tpu.memref_slice %arg6[%add3A, %dma_start3A_15, %dma_start3A_16] : memref<32x16x1024xf32, #tpu.memory_space<hbm>> -> memref<1x16x1024xf32, #tpu.memory_space<hbm>>
      %dma_start3A_18 = tpu.memref_squeeze %dma_start3A_17 : memref<1x16x1024xf32, #tpu.memory_space<hbm>> -> memref<16x1024xf32, #tpu.memory_space<hbm>>
      tpu.enqueue_dma source(%arg9 : memref<16x1024xf32, #tpu.memory_space<vmem>>) target(%dma_start3A_18 : memref<16x1024xf32, #tpu.memory_space<hbm>>) target_semaphore(%run_scoped3A : memref<!tpu.dma_semaphore, #tpu.memory_space<semaphore_mem>>)
      %dma_wait3A_19 = arith.constant 0 : i32
      %dma_wait3A_20 = arith.constant 0 : i32
      %dma_wait3A_21 = tpu.memref_slice %arg6[%add3A, %dma_wait3A_19, %dma_wait3A_20] : memref<32x16x1024xf32, #tpu.memory_space<hbm>> -> memref<1x16x1024xf32, #tpu.memory_space<hbm>>
      %dma_wait3A_22 = tpu.memref_squeeze %dma_wait3A_21 : memref<1x16x1024xf32, #tpu.memory_space<hbm>> -> memref<16x1024xf32, #tpu.memory_space<hbm>>
      %dma_wait3A_23 = arith.constant 0 : i32
      %dma_wait3A_24 = arith.constant 0 : i32
      %dma_wait3A_25 = tpu.memref_slice %arg6[%add3A, %dma_wait3A_23, %dma_wait3A_24] : memref<32x16x1024xf32, #tpu.memory_space<hbm>> -> memref<1x16x1024xf32, #tpu.memory_space<hbm>>
      %dma_wait3A_26 = tpu.memref_squeeze %dma_wait3A_25 : memref<1x16x1024xf32, #tpu.memory_space<hbm>> -> memref<16x1024xf32, #tpu.memory_space<hbm>>
      tpu.wait_dma2 semaphore(%run_scoped3A : memref<!tpu.dma_semaphore, #tpu.memory_space<semaphore_mem>>) src(%arg9 : memref<16x1024xf32, #tpu.memory_space<vmem>>) dst(%dma_wait3A_26 : memref<16x1024xf32, #tpu.memory_space<hbm>>)
      tpu.yield
    }) : () -> ()
    return
  }
}

module attributes {stable_mosaic.version = 14 : i64} {
  func.func @_scores_topk_kernel(%arg0: i32, %arg1: memref<1x1x1024xf32, #tpu.memory_space<vmem>>, %arg2: memref<1x2048x1024xf32, #tpu.memory_space<vmem>>, %arg3: memref<1x1x16xi32, #tpu.memory_space<vmem>>, %arg4: memref<16x128xf32, #tpu.memory_space<vmem>>) attributes {dimension_semantics = [#tpu.dimension_semantics<arbitrary>], iteration_bounds = array<i64: 33>, scalar_prefetch = 0 : i64, scratch_operands = 1 : i64, tpu.core_type = #tpu.core_type<tc>, window_params = [{transform_indices = @transform_0, window_bounds = array<i64: 1, 1, 1024>}, {transform_indices = @transform_1, window_bounds = array<i64: 1, 2048, 1024>}, {transform_indices = @transform_2, window_bounds = array<i64: 1, 1, 16>}]} {
    %sub3A = arith.constant 1 : i32
    %sub3A_0 = arith.subi %arg0, %sub3A : i32
    %jit3A = arith.constant 0 : i32
    %jit3A_1 = arith.constant 31 : i32
    %max3A = arith.maxsi %jit3A, %sub3A_0 : i32
    %min3A = arith.minsi %jit3A_1, %max3A : i32
    %get3A = arith.constant 0 : index
    %get3A_2 = arith.constant 0 : index
    %get3A_3 = vector.load %arg4[%get3A, %get3A_2] : memref<16x128xf32, #tpu.memory_space<vmem>>, vector<16x128xf32>
    %iota3A = tpu.iota {dimensions = array<i32: 0>} : vector<16x128xi32>
    %mul3A = arith.constant 128 : i32
    %mul3A_4 = vector.broadcast %mul3A : i32 to vector<16x128xi32>
    %mul3A_5 = arith.muli %iota3A, %mul3A_4 : vector<16x128xi32>
    %iota3A_6 = tpu.iota {dimensions = array<i32: 1>} : vector<16x128xi32>
    %add3A = arith.addi %mul3A_5, %iota3A_6 : vector<16x128xi32>
    %iota3A_7 = tpu.iota {dimensions = array<i32: 1>} : vector<1x16xi32>
    %broadcast_in_dim3A = arith.constant 0 : i32
    %broadcast_in_dim3A_8 = vector.broadcast %broadcast_in_dim3A : i32 to vector<1x16xi32>
    %reduce_max3A = vector.shape_cast %get3A_3 : vector<16x128xf32> to vector<1x16x128xf32>
    %reduce_max3A_9 = arith.constant dense<0xFF800000> : vector<1xf32>
    %reduce_max3A_10 = vector.multi_reduction <maximumf>, %reduce_max3A, %reduce_max3A_9 [1, 2] : vector<1x16x128xf32> to vector<1xf32>
    %reduce_max3A_11 = vector.shape_cast %reduce_max3A_10 : vector<1xf32> to vector<1x1x1xf32>
    %reduce_max3A_12 = vector.extract %reduce_max3A_11[0, 0, 0] : f32 from vector<1x1x1xf32>
    %ge3A = vector.broadcast %reduce_max3A_12 : f32 to vector<16x128xf32>
    %ge3A_13 = arith.cmpf oge, %get3A_3, %ge3A : vector<16x128xf32>
    %jit3A_14 = arith.constant 2048 : i32
    %broadcast_in_dim3A_15 = vector.broadcast %jit3A_14 : i32 to vector<16x128xi32>
    %select_n3A = arith.select %ge3A_13, %add3A, %broadcast_in_dim3A_15 : vector<16x128xi1>, vector<16x128xi32>
    %reduce_min3A = vector.shape_cast %select_n3A : vector<16x128xi32> to vector<1x16x128xi32>
    %reduce_min3A_16 = arith.constant dense<2147483647> : vector<1xi32>
    %reduce_min3A_17 = vector.multi_reduction <minsi>, %reduce_min3A, %reduce_min3A_16 [1, 2] : vector<1x16x128xi32> to vector<1xi32>
    %reduce_min3A_18 = vector.shape_cast %reduce_min3A_17 : vector<1xi32> to vector<1x1x1xi32>
    %reduce_min3A_19 = vector.extract %reduce_min3A_18[0, 0, 0] : i32 from vector<1x1x1xi32>
    %min3A_20 = arith.constant 2047 : i32
    %min3A_21 = arith.minsi %reduce_min3A_19, %min3A_20 : i32
    %eq3A = vector.broadcast %min3A_21 : i32 to vector<16x128xi32>
    %eq3A_22 = arith.cmpi eq, %add3A, %eq3A : vector<16x128xi32>
    %jit3A_23 = arith.constant 0xFF800000 : f32
    %broadcast_in_dim3A_24 = vector.broadcast %jit3A_23 : f32 to vector<16x128xf32>
    %select_n3A_25 = arith.select %eq3A_22, %broadcast_in_dim3A_24, %get3A_3 : vector<16x128xi1>, vector<16x128xf32>
    %eq3A_26 = arith.constant 0 : i32
    %eq3A_27 = vector.broadcast %eq3A_26 : i32 to vector<1x16xi32>
    %eq3A_28 = arith.cmpi eq, %iota3A_7, %eq3A_27 : vector<1x16xi32>
    %broadcast_in_dim3A_29 = vector.broadcast %min3A_21 : i32 to vector<1x16xi32>
    %select_n3A_30 = arith.select %eq3A_28, %broadcast_in_dim3A_29, %broadcast_in_dim3A_8 : vector<1x16xi1>, vector<1x16xi32>
    %reduce_max3A_31 = vector.shape_cast %select_n3A_25 : vector<16x128xf32> to vector<1x16x128xf32>
    %reduce_max3A_32 = arith.constant dense<0xFF800000> : vector<1xf32>
    %reduce_max3A_33 = vector.multi_reduction <maximumf>, %reduce_max3A_31, %reduce_max3A_32 [1, 2] : vector<1x16x128xf32> to vector<1xf32>
    %reduce_max3A_34 = vector.shape_cast %reduce_max3A_33 : vector<1xf32> to vector<1x1x1xf32>
    %reduce_max3A_35 = vector.extract %reduce_max3A_34[0, 0, 0] : f32 from vector<1x1x1xf32>
    %ge3A_36 = vector.broadcast %reduce_max3A_35 : f32 to vector<16x128xf32>
    %ge3A_37 = arith.cmpf oge, %select_n3A_25, %ge3A_36 : vector<16x128xf32>
    %jit3A_38 = arith.constant 2048 : i32
    %broadcast_in_dim3A_39 = vector.broadcast %jit3A_38 : i32 to vector<16x128xi32>
    %select_n3A_40 = arith.select %ge3A_37, %add3A, %broadcast_in_dim3A_39 : vector<16x128xi1>, vector<16x128xi32>
    %reduce_min3A_41 = vector.shape_cast %select_n3A_40 : vector<16x128xi32> to vector<1x16x128xi32>
    %reduce_min3A_42 = arith.constant dense<2147483647> : vector<1xi32>
    %reduce_min3A_43 = vector.multi_reduction <minsi>, %reduce_min3A_41, %reduce_min3A_42 [1, 2] : vector<1x16x128xi32> to vector<1xi32>
    %reduce_min3A_44 = vector.shape_cast %reduce_min3A_43 : vector<1xi32> to vector<1x1x1xi32>
    %reduce_min3A_45 = vector.extract %reduce_min3A_44[0, 0, 0] : i32 from vector<1x1x1xi32>
    %min3A_46 = arith.constant 2047 : i32
    %min3A_47 = arith.minsi %reduce_min3A_45, %min3A_46 : i32
    %eq3A_48 = vector.broadcast %min3A_47 : i32 to vector<16x128xi32>
    %eq3A_49 = arith.cmpi eq, %add3A, %eq3A_48 : vector<16x128xi32>
    %jit3A_50 = arith.constant 0xFF800000 : f32
    %broadcast_in_dim3A_51 = vector.broadcast %jit3A_50 : f32 to vector<16x128xf32>
    %select_n3A_52 = arith.select %eq3A_49, %broadcast_in_dim3A_51, %select_n3A_25 : vector<16x128xi1>, vector<16x128xf32>
    %eq3A_53 = arith.constant 1 : i32
    %eq3A_54 = vector.broadcast %eq3A_53 : i32 to vector<1x16xi32>
    %eq3A_55 = arith.cmpi eq, %iota3A_7, %eq3A_54 : vector<1x16xi32>
    %broadcast_in_dim3A_56 = vector.broadcast %min3A_47 : i32 to vector<1x16xi32>
    %select_n3A_57 = arith.select %eq3A_55, %broadcast_in_dim3A_56, %select_n3A_30 : vector<1x16xi1>, vector<1x16xi32>
    %reduce_max3A_58 = vector.shape_cast %select_n3A_52 : vector<16x128xf32> to vector<1x16x128xf32>
    %reduce_max3A_59 = arith.constant dense<0xFF800000> : vector<1xf32>
    %reduce_max3A_60 = vector.multi_reduction <maximumf>, %reduce_max3A_58, %reduce_max3A_59 [1, 2] : vector<1x16x128xf32> to vector<1xf32>
    %reduce_max3A_61 = vector.shape_cast %reduce_max3A_60 : vector<1xf32> to vector<1x1x1xf32>
    %reduce_max3A_62 = vector.extract %reduce_max3A_61[0, 0, 0] : f32 from vector<1x1x1xf32>
    %ge3A_63 = vector.broadcast %reduce_max3A_62 : f32 to vector<16x128xf32>
    %ge3A_64 = arith.cmpf oge, %select_n3A_52, %ge3A_63 : vector<16x128xf32>
    %jit3A_65 = arith.constant 2048 : i32
    %broadcast_in_dim3A_66 = vector.broadcast %jit3A_65 : i32 to vector<16x128xi32>
    %select_n3A_67 = arith.select %ge3A_64, %add3A, %broadcast_in_dim3A_66 : vector<16x128xi1>, vector<16x128xi32>
    %reduce_min3A_68 = vector.shape_cast %select_n3A_67 : vector<16x128xi32> to vector<1x16x128xi32>
    %reduce_min3A_69 = arith.constant dense<2147483647> : vector<1xi32>
    %reduce_min3A_70 = vector.multi_reduction <minsi>, %reduce_min3A_68, %reduce_min3A_69 [1, 2] : vector<1x16x128xi32> to vector<1xi32>
    %reduce_min3A_71 = vector.shape_cast %reduce_min3A_70 : vector<1xi32> to vector<1x1x1xi32>
    %reduce_min3A_72 = vector.extract %reduce_min3A_71[0, 0, 0] : i32 from vector<1x1x1xi32>
    %min3A_73 = arith.constant 2047 : i32
    %min3A_74 = arith.minsi %reduce_min3A_72, %min3A_73 : i32
    %eq3A_75 = vector.broadcast %min3A_74 : i32 to vector<16x128xi32>
    %eq3A_76 = arith.cmpi eq, %add3A, %eq3A_75 : vector<16x128xi32>
    %jit3A_77 = arith.constant 0xFF800000 : f32
    %broadcast_in_dim3A_78 = vector.broadcast %jit3A_77 : f32 to vector<16x128xf32>
    %select_n3A_79 = arith.select %eq3A_76, %broadcast_in_dim3A_78, %select_n3A_52 : vector<16x128xi1>, vector<16x128xf32>
    %eq3A_80 = arith.constant 2 : i32
    %eq3A_81 = vector.broadcast %eq3A_80 : i32 to vector<1x16xi32>
    %eq3A_82 = arith.cmpi eq, %iota3A_7, %eq3A_81 : vector<1x16xi32>
    %broadcast_in_dim3A_83 = vector.broadcast %min3A_74 : i32 to vector<1x16xi32>
    %select_n3A_84 = arith.select %eq3A_82, %broadcast_in_dim3A_83, %select_n3A_57 : vector<1x16xi1>, vector<1x16xi32>
    %reduce_max3A_85 = vector.shape_cast %select_n3A_79 : vector<16x128xf32> to vector<1x16x128xf32>
    %reduce_max3A_86 = arith.constant dense<0xFF800000> : vector<1xf32>
    %reduce_max3A_87 = vector.multi_reduction <maximumf>, %reduce_max3A_85, %reduce_max3A_86 [1, 2] : vector<1x16x128xf32> to vector<1xf32>
    %reduce_max3A_88 = vector.shape_cast %reduce_max3A_87 : vector<1xf32> to vector<1x1x1xf32>
    %reduce_max3A_89 = vector.extract %reduce_max3A_88[0, 0, 0] : f32 from vector<1x1x1xf32>
    %ge3A_90 = vector.broadcast %reduce_max3A_89 : f32 to vector<16x128xf32>
    %ge3A_91 = arith.cmpf oge, %select_n3A_79, %ge3A_90 : vector<16x128xf32>
    %jit3A_92 = arith.constant 2048 : i32
    %broadcast_in_dim3A_93 = vector.broadcast %jit3A_92 : i32 to vector<16x128xi32>
    %select_n3A_94 = arith.select %ge3A_91, %add3A, %broadcast_in_dim3A_93 : vector<16x128xi1>, vector<16x128xi32>
    %reduce_min3A_95 = vector.shape_cast %select_n3A_94 : vector<16x128xi32> to vector<1x16x128xi32>
    %reduce_min3A_96 = arith.constant dense<2147483647> : vector<1xi32>
    %reduce_min3A_97 = vector.multi_reduction <minsi>, %reduce_min3A_95, %reduce_min3A_96 [1, 2] : vector<1x16x128xi32> to vector<1xi32>
    %reduce_min3A_98 = vector.shape_cast %reduce_min3A_97 : vector<1xi32> to vector<1x1x1xi32>
    %reduce_min3A_99 = vector.extract %reduce_min3A_98[0, 0, 0] : i32 from vector<1x1x1xi32>
    %min3A_100 = arith.constant 2047 : i32
    %min3A_101 = arith.minsi %reduce_min3A_99, %min3A_100 : i32
    %eq3A_102 = vector.broadcast %min3A_101 : i32 to vector<16x128xi32>
    %eq3A_103 = arith.cmpi eq, %add3A, %eq3A_102 : vector<16x128xi32>
    %jit3A_104 = arith.constant 0xFF800000 : f32
    %broadcast_in_dim3A_105 = vector.broadcast %jit3A_104 : f32 to vector<16x128xf32>
    %select_n3A_106 = arith.select %eq3A_103, %broadcast_in_dim3A_105, %select_n3A_79 : vector<16x128xi1>, vector<16x128xf32>
    %eq3A_107 = arith.constant 3 : i32
    %eq3A_108 = vector.broadcast %eq3A_107 : i32 to vector<1x16xi32>
    %eq3A_109 = arith.cmpi eq, %iota3A_7, %eq3A_108 : vector<1x16xi32>
    %broadcast_in_dim3A_110 = vector.broadcast %min3A_101 : i32 to vector<1x16xi32>
    %select_n3A_111 = arith.select %eq3A_109, %broadcast_in_dim3A_110, %select_n3A_84 : vector<1x16xi1>, vector<1x16xi32>
    %reduce_max3A_112 = vector.shape_cast %select_n3A_106 : vector<16x128xf32> to vector<1x16x128xf32>
    %reduce_max3A_113 = arith.constant dense<0xFF800000> : vector<1xf32>
    %reduce_max3A_114 = vector.multi_reduction <maximumf>, %reduce_max3A_112, %reduce_max3A_113 [1, 2] : vector<1x16x128xf32> to vector<1xf32>
    %reduce_max3A_115 = vector.shape_cast %reduce_max3A_114 : vector<1xf32> to vector<1x1x1xf32>
    %reduce_max3A_116 = vector.extract %reduce_max3A_115[0, 0, 0] : f32 from vector<1x1x1xf32>
    %ge3A_117 = vector.broadcast %reduce_max3A_116 : f32 to vector<16x128xf32>
    %ge3A_118 = arith.cmpf oge, %select_n3A_106, %ge3A_117 : vector<16x128xf32>
    %jit3A_119 = arith.constant 2048 : i32
    %broadcast_in_dim3A_120 = vector.broadcast %jit3A_119 : i32 to vector<16x128xi32>
    %select_n3A_121 = arith.select %ge3A_118, %add3A, %broadcast_in_dim3A_120 : vector<16x128xi1>, vector<16x128xi32>
    %reduce_min3A_122 = vector.shape_cast %select_n3A_121 : vector<16x128xi32> to vector<1x16x128xi32>
    %reduce_min3A_123 = arith.constant dense<2147483647> : vector<1xi32>
    %reduce_min3A_124 = vector.multi_reduction <minsi>, %reduce_min3A_122, %reduce_min3A_123 [1, 2] : vector<1x16x128xi32> to vector<1xi32>
    %reduce_min3A_125 = vector.shape_cast %reduce_min3A_124 : vector<1xi32> to vector<1x1x1xi32>
    %reduce_min3A_126 = vector.extract %reduce_min3A_125[0, 0, 0] : i32 from vector<1x1x1xi32>
    %min3A_127 = arith.constant 2047 : i32
    %min3A_128 = arith.minsi %reduce_min3A_126, %min3A_127 : i32
    %eq3A_129 = vector.broadcast %min3A_128 : i32 to vector<16x128xi32>
    %eq3A_130 = arith.cmpi eq, %add3A, %eq3A_129 : vector<16x128xi32>
    %jit3A_131 = arith.constant 0xFF800000 : f32
    %broadcast_in_dim3A_132 = vector.broadcast %jit3A_131 : f32 to vector<16x128xf32>
    %select_n3A_133 = arith.select %eq3A_130, %broadcast_in_dim3A_132, %select_n3A_106 : vector<16x128xi1>, vector<16x128xf32>
    %eq3A_134 = arith.constant 4 : i32
    %eq3A_135 = vector.broadcast %eq3A_134 : i32 to vector<1x16xi32>
    %eq3A_136 = arith.cmpi eq, %iota3A_7, %eq3A_135 : vector<1x16xi32>
    %broadcast_in_dim3A_137 = vector.broadcast %min3A_128 : i32 to vector<1x16xi32>
    %select_n3A_138 = arith.select %eq3A_136, %broadcast_in_dim3A_137, %select_n3A_111 : vector<1x16xi1>, vector<1x16xi32>
    %reduce_max3A_139 = vector.shape_cast %select_n3A_133 : vector<16x128xf32> to vector<1x16x128xf32>
    %reduce_max3A_140 = arith.constant dense<0xFF800000> : vector<1xf32>
    %reduce_max3A_141 = vector.multi_reduction <maximumf>, %reduce_max3A_139, %reduce_max3A_140 [1, 2] : vector<1x16x128xf32> to vector<1xf32>
    %reduce_max3A_142 = vector.shape_cast %reduce_max3A_141 : vector<1xf32> to vector<1x1x1xf32>
    %reduce_max3A_143 = vector.extract %reduce_max3A_142[0, 0, 0] : f32 from vector<1x1x1xf32>
    %ge3A_144 = vector.broadcast %reduce_max3A_143 : f32 to vector<16x128xf32>
    %ge3A_145 = arith.cmpf oge, %select_n3A_133, %ge3A_144 : vector<16x128xf32>
    %jit3A_146 = arith.constant 2048 : i32
    %broadcast_in_dim3A_147 = vector.broadcast %jit3A_146 : i32 to vector<16x128xi32>
    %select_n3A_148 = arith.select %ge3A_145, %add3A, %broadcast_in_dim3A_147 : vector<16x128xi1>, vector<16x128xi32>
    %reduce_min3A_149 = vector.shape_cast %select_n3A_148 : vector<16x128xi32> to vector<1x16x128xi32>
    %reduce_min3A_150 = arith.constant dense<2147483647> : vector<1xi32>
    %reduce_min3A_151 = vector.multi_reduction <minsi>, %reduce_min3A_149, %reduce_min3A_150 [1, 2] : vector<1x16x128xi32> to vector<1xi32>
    %reduce_min3A_152 = vector.shape_cast %reduce_min3A_151 : vector<1xi32> to vector<1x1x1xi32>
    %reduce_min3A_153 = vector.extract %reduce_min3A_152[0, 0, 0] : i32 from vector<1x1x1xi32>
    %min3A_154 = arith.constant 2047 : i32
    %min3A_155 = arith.minsi %reduce_min3A_153, %min3A_154 : i32
    %eq3A_156 = vector.broadcast %min3A_155 : i32 to vector<16x128xi32>
    %eq3A_157 = arith.cmpi eq, %add3A, %eq3A_156 : vector<16x128xi32>
    %jit3A_158 = arith.constant 0xFF800000 : f32
    %broadcast_in_dim3A_159 = vector.broadcast %jit3A_158 : f32 to vector<16x128xf32>
    %select_n3A_160 = arith.select %eq3A_157, %broadcast_in_dim3A_159, %select_n3A_133 : vector<16x128xi1>, vector<16x128xf32>
    %eq3A_161 = arith.constant 5 : i32
    %eq3A_162 = vector.broadcast %eq3A_161 : i32 to vector<1x16xi32>
    %eq3A_163 = arith.cmpi eq, %iota3A_7, %eq3A_162 : vector<1x16xi32>
    %broadcast_in_dim3A_164 = vector.broadcast %min3A_155 : i32 to vector<1x16xi32>
    %select_n3A_165 = arith.select %eq3A_163, %broadcast_in_dim3A_164, %select_n3A_138 : vector<1x16xi1>, vector<1x16xi32>
    %reduce_max3A_166 = vector.shape_cast %select_n3A_160 : vector<16x128xf32> to vector<1x16x128xf32>
    %reduce_max3A_167 = arith.constant dense<0xFF800000> : vector<1xf32>
    %reduce_max3A_168 = vector.multi_reduction <maximumf>, %reduce_max3A_166, %reduce_max3A_167 [1, 2] : vector<1x16x128xf32> to vector<1xf32>
    %reduce_max3A_169 = vector.shape_cast %reduce_max3A_168 : vector<1xf32> to vector<1x1x1xf32>
    %reduce_max3A_170 = vector.extract %reduce_max3A_169[0, 0, 0] : f32 from vector<1x1x1xf32>
    %ge3A_171 = vector.broadcast %reduce_max3A_170 : f32 to vector<16x128xf32>
    %ge3A_172 = arith.cmpf oge, %select_n3A_160, %ge3A_171 : vector<16x128xf32>
    %jit3A_173 = arith.constant 2048 : i32
    %broadcast_in_dim3A_174 = vector.broadcast %jit3A_173 : i32 to vector<16x128xi32>
    %select_n3A_175 = arith.select %ge3A_172, %add3A, %broadcast_in_dim3A_174 : vector<16x128xi1>, vector<16x128xi32>
    %reduce_min3A_176 = vector.shape_cast %select_n3A_175 : vector<16x128xi32> to vector<1x16x128xi32>
    %reduce_min3A_177 = arith.constant dense<2147483647> : vector<1xi32>
    %reduce_min3A_178 = vector.multi_reduction <minsi>, %reduce_min3A_176, %reduce_min3A_177 [1, 2] : vector<1x16x128xi32> to vector<1xi32>
    %reduce_min3A_179 = vector.shape_cast %reduce_min3A_178 : vector<1xi32> to vector<1x1x1xi32>
    %reduce_min3A_180 = vector.extract %reduce_min3A_179[0, 0, 0] : i32 from vector<1x1x1xi32>
    %min3A_181 = arith.constant 2047 : i32
    %min3A_182 = arith.minsi %reduce_min3A_180, %min3A_181 : i32
    %eq3A_183 = vector.broadcast %min3A_182 : i32 to vector<16x128xi32>
    %eq3A_184 = arith.cmpi eq, %add3A, %eq3A_183 : vector<16x128xi32>
    %jit3A_185 = arith.constant 0xFF800000 : f32
    %broadcast_in_dim3A_186 = vector.broadcast %jit3A_185 : f32 to vector<16x128xf32>
    %select_n3A_187 = arith.select %eq3A_184, %broadcast_in_dim3A_186, %select_n3A_160 : vector<16x128xi1>, vector<16x128xf32>
    %eq3A_188 = arith.constant 6 : i32
    %eq3A_189 = vector.broadcast %eq3A_188 : i32 to vector<1x16xi32>
    %eq3A_190 = arith.cmpi eq, %iota3A_7, %eq3A_189 : vector<1x16xi32>
    %broadcast_in_dim3A_191 = vector.broadcast %min3A_182 : i32 to vector<1x16xi32>
    %select_n3A_192 = arith.select %eq3A_190, %broadcast_in_dim3A_191, %select_n3A_165 : vector<1x16xi1>, vector<1x16xi32>
    %reduce_max3A_193 = vector.shape_cast %select_n3A_187 : vector<16x128xf32> to vector<1x16x128xf32>
    %reduce_max3A_194 = arith.constant dense<0xFF800000> : vector<1xf32>
    %reduce_max3A_195 = vector.multi_reduction <maximumf>, %reduce_max3A_193, %reduce_max3A_194 [1, 2] : vector<1x16x128xf32> to vector<1xf32>
    %reduce_max3A_196 = vector.shape_cast %reduce_max3A_195 : vector<1xf32> to vector<1x1x1xf32>
    %reduce_max3A_197 = vector.extract %reduce_max3A_196[0, 0, 0] : f32 from vector<1x1x1xf32>
    %ge3A_198 = vector.broadcast %reduce_max3A_197 : f32 to vector<16x128xf32>
    %ge3A_199 = arith.cmpf oge, %select_n3A_187, %ge3A_198 : vector<16x128xf32>
    %jit3A_200 = arith.constant 2048 : i32
    %broadcast_in_dim3A_201 = vector.broadcast %jit3A_200 : i32 to vector<16x128xi32>
    %select_n3A_202 = arith.select %ge3A_199, %add3A, %broadcast_in_dim3A_201 : vector<16x128xi1>, vector<16x128xi32>
    %reduce_min3A_203 = vector.shape_cast %select_n3A_202 : vector<16x128xi32> to vector<1x16x128xi32>
    %reduce_min3A_204 = arith.constant dense<2147483647> : vector<1xi32>
    %reduce_min3A_205 = vector.multi_reduction <minsi>, %reduce_min3A_203, %reduce_min3A_204 [1, 2] : vector<1x16x128xi32> to vector<1xi32>
    %reduce_min3A_206 = vector.shape_cast %reduce_min3A_205 : vector<1xi32> to vector<1x1x1xi32>
    %reduce_min3A_207 = vector.extract %reduce_min3A_206[0, 0, 0] : i32 from vector<1x1x1xi32>
    %min3A_208 = arith.constant 2047 : i32
    %min3A_209 = arith.minsi %reduce_min3A_207, %min3A_208 : i32
    %eq3A_210 = vector.broadcast %min3A_209 : i32 to vector<16x128xi32>
    %eq3A_211 = arith.cmpi eq, %add3A, %eq3A_210 : vector<16x128xi32>
    %jit3A_212 = arith.constant 0xFF800000 : f32
    %broadcast_in_dim3A_213 = vector.broadcast %jit3A_212 : f32 to vector<16x128xf32>
    %select_n3A_214 = arith.select %eq3A_211, %broadcast_in_dim3A_213, %select_n3A_187 : vector<16x128xi1>, vector<16x128xf32>
    %eq3A_215 = arith.constant 7 : i32
    %eq3A_216 = vector.broadcast %eq3A_215 : i32 to vector<1x16xi32>
    %eq3A_217 = arith.cmpi eq, %iota3A_7, %eq3A_216 : vector<1x16xi32>
    %broadcast_in_dim3A_218 = vector.broadcast %min3A_209 : i32 to vector<1x16xi32>
    %select_n3A_219 = arith.select %eq3A_217, %broadcast_in_dim3A_218, %select_n3A_192 : vector<1x16xi1>, vector<1x16xi32>
    %reduce_max3A_220 = vector.shape_cast %select_n3A_214 : vector<16x128xf32> to vector<1x16x128xf32>
    %reduce_max3A_221 = arith.constant dense<0xFF800000> : vector<1xf32>
    %reduce_max3A_222 = vector.multi_reduction <maximumf>, %reduce_max3A_220, %reduce_max3A_221 [1, 2] : vector<1x16x128xf32> to vector<1xf32>
    %reduce_max3A_223 = vector.shape_cast %reduce_max3A_222 : vector<1xf32> to vector<1x1x1xf32>
    %reduce_max3A_224 = vector.extract %reduce_max3A_223[0, 0, 0] : f32 from vector<1x1x1xf32>
    %ge3A_225 = vector.broadcast %reduce_max3A_224 : f32 to vector<16x128xf32>
    %ge3A_226 = arith.cmpf oge, %select_n3A_214, %ge3A_225 : vector<16x128xf32>
    %jit3A_227 = arith.constant 2048 : i32
    %broadcast_in_dim3A_228 = vector.broadcast %jit3A_227 : i32 to vector<16x128xi32>
    %select_n3A_229 = arith.select %ge3A_226, %add3A, %broadcast_in_dim3A_228 : vector<16x128xi1>, vector<16x128xi32>
    %reduce_min3A_230 = vector.shape_cast %select_n3A_229 : vector<16x128xi32> to vector<1x16x128xi32>
    %reduce_min3A_231 = arith.constant dense<2147483647> : vector<1xi32>
    %reduce_min3A_232 = vector.multi_reduction <minsi>, %reduce_min3A_230, %reduce_min3A_231 [1, 2] : vector<1x16x128xi32> to vector<1xi32>
    %reduce_min3A_233 = vector.shape_cast %reduce_min3A_232 : vector<1xi32> to vector<1x1x1xi32>
    %reduce_min3A_234 = vector.extract %reduce_min3A_233[0, 0, 0] : i32 from vector<1x1x1xi32>
    %min3A_235 = arith.constant 2047 : i32
    %min3A_236 = arith.minsi %reduce_min3A_234, %min3A_235 : i32
    %eq3A_237 = vector.broadcast %min3A_236 : i32 to vector<16x128xi32>
    %eq3A_238 = arith.cmpi eq, %add3A, %eq3A_237 : vector<16x128xi32>
    %jit3A_239 = arith.constant 0xFF800000 : f32
    %broadcast_in_dim3A_240 = vector.broadcast %jit3A_239 : f32 to vector<16x128xf32>
    %select_n3A_241 = arith.select %eq3A_238, %broadcast_in_dim3A_240, %select_n3A_214 : vector<16x128xi1>, vector<16x128xf32>
    %eq3A_242 = arith.constant 8 : i32
    %eq3A_243 = vector.broadcast %eq3A_242 : i32 to vector<1x16xi32>
    %eq3A_244 = arith.cmpi eq, %iota3A_7, %eq3A_243 : vector<1x16xi32>
    %broadcast_in_dim3A_245 = vector.broadcast %min3A_236 : i32 to vector<1x16xi32>
    %select_n3A_246 = arith.select %eq3A_244, %broadcast_in_dim3A_245, %select_n3A_219 : vector<1x16xi1>, vector<1x16xi32>
    %reduce_max3A_247 = vector.shape_cast %select_n3A_241 : vector<16x128xf32> to vector<1x16x128xf32>
    %reduce_max3A_248 = arith.constant dense<0xFF800000> : vector<1xf32>
    %reduce_max3A_249 = vector.multi_reduction <maximumf>, %reduce_max3A_247, %reduce_max3A_248 [1, 2] : vector<1x16x128xf32> to vector<1xf32>
    %reduce_max3A_250 = vector.shape_cast %reduce_max3A_249 : vector<1xf32> to vector<1x1x1xf32>
    %reduce_max3A_251 = vector.extract %reduce_max3A_250[0, 0, 0] : f32 from vector<1x1x1xf32>
    %ge3A_252 = vector.broadcast %reduce_max3A_251 : f32 to vector<16x128xf32>
    %ge3A_253 = arith.cmpf oge, %select_n3A_241, %ge3A_252 : vector<16x128xf32>
    %jit3A_254 = arith.constant 2048 : i32
    %broadcast_in_dim3A_255 = vector.broadcast %jit3A_254 : i32 to vector<16x128xi32>
    %select_n3A_256 = arith.select %ge3A_253, %add3A, %broadcast_in_dim3A_255 : vector<16x128xi1>, vector<16x128xi32>
    %reduce_min3A_257 = vector.shape_cast %select_n3A_256 : vector<16x128xi32> to vector<1x16x128xi32>
    %reduce_min3A_258 = arith.constant dense<2147483647> : vector<1xi32>
    %reduce_min3A_259 = vector.multi_reduction <minsi>, %reduce_min3A_257, %reduce_min3A_258 [1, 2] : vector<1x16x128xi32> to vector<1xi32>
    %reduce_min3A_260 = vector.shape_cast %reduce_min3A_259 : vector<1xi32> to vector<1x1x1xi32>
    %reduce_min3A_261 = vector.extract %reduce_min3A_260[0, 0, 0] : i32 from vector<1x1x1xi32>
    %min3A_262 = arith.constant 2047 : i32
    %min3A_263 = arith.minsi %reduce_min3A_261, %min3A_262 : i32
    %eq3A_264 = arith.constant 9 : i32
    %eq3A_265 = vector.broadcast %eq3A_264 : i32 to vector<1x16xi32>
    %eq3A_266 = arith.cmpi eq, %iota3A_7, %eq3A_265 : vector<1x16xi32>
    %broadcast_in_dim3A_267 = vector.broadcast %min3A_263 : i32 to vector<1x16xi32>
    %select_n3A_268 = arith.select %eq3A_266, %broadcast_in_dim3A_267, %select_n3A_246 : vector<1x16xi1>, vector<1x16xi32>
    %mul3A_269 = arith.constant 2048 : i32
    %mul3A_270 = arith.muli %min3A, %mul3A_269 : i32
    %add3A_271 = vector.broadcast %mul3A_270 : i32 to vector<1x16xi32>
    %add3A_272 = arith.addi %select_n3A_268, %add3A_271 : vector<1x16xi32>
    %swap3A = arith.constant 0 : index
    %swap3A_273 = arith.constant 0 : index
    %swap3A_274 = arith.constant 0 : index
    %swap3A_275 = vector.load %arg3[%swap3A, %swap3A_273, %swap3A_274] : memref<1x1x16xi32, #tpu.memory_space<vmem>>, vector<1x1x16xi32>
    %swap3A_276 = vector.shape_cast %swap3A_275 : vector<1x1x16xi32> to vector<1x16xi32>
    %swap3A_277 = vector.shape_cast %add3A_272 : vector<1x16xi32> to vector<1x1x16xi32>
    tpu.vector_store %arg3[%swap3A, %swap3A_273, %swap3A_274], %swap3A_277 {strides = array<i32>} : memref<1x1x16xi32, #tpu.memory_space<vmem>>, vector<1x1x16xi32>,
    %get3A_278 = arith.constant 0 : index
    %get3A_279 = arith.constant 0 : index
    %get3A_280 = arith.constant 0 : index
    %get3A_281 = vector.load %arg1[%get3A_278, %get3A_279, %get3A_280] : memref<1x1x1024xf32, #tpu.memory_space<vmem>>, vector<1x1x1024xf32>
    %get3A_282 = vector.shape_cast %get3A_281 : vector<1x1x1024xf32> to vector<1x1024xf32>
    %convert_element_type3A = arith.truncf %get3A_282 : vector<1x1024xf32> to vector<1x1024xbf16>
    %get3A_283 = arith.constant 0 : index
    %get3A_284 = arith.constant 0 : index
    %get3A_285 = arith.constant 0 : index
    %get3A_286 = vector.load %arg2[%get3A_283, %get3A_284, %get3A_285] : memref<1x2048x1024xf32, #tpu.memory_space<vmem>>, vector<1x2048x1024xf32>
    %get3A_287 = vector.shape_cast %get3A_286 : vector<1x2048x1024xf32> to vector<2048x1024xf32>
    %convert_element_type3A_288 = arith.truncf %get3A_287 : vector<2048x1024xf32> to vector<2048x1024xbf16>
    %slice3A = vector.extract_strided_slice %convert_element_type3A {offsets = [0, 0], sizes = [1, 128], strides = [1, 1]} : vector<1x1024xbf16> to vector<1x128xbf16>
    %slice3A_289 = vector.extract_strided_slice %convert_element_type3A_288 {offsets = [0, 0], sizes = [2048, 128], strides = [1, 1]} : vector<2048x1024xbf16> to vector<2048x128xbf16>
    %dot_general3A = arith.constant dense<0.000000e+00> : vector<1x2048xf32>
    %dot_general3A_290 = tpu.matmul %slice3A, %slice3A_289, %dot_general3A {dimension_numbers = #tpu.dot_dimension_numbers<[1], [1], [0], [0], [0, 0, 1, 0], [], []>, transpose_lhs_hint = false} : vector<1x128xbf16>, vector<2048x128xbf16>, vector<1x2048xf32> -> vector<1x2048xf32>
    %slice3A_291 = vector.extract_strided_slice %convert_element_type3A {offsets = [0, 128], sizes = [1, 128], strides = [1, 1]} : vector<1x1024xbf16> to vector<1x128xbf16>
    %slice3A_292 = vector.extract_strided_slice %convert_element_type3A_288 {offsets = [0, 128], sizes = [2048, 128], strides = [1, 1]} : vector<2048x1024xbf16> to vector<2048x128xbf16>
    %dot_general3A_293 = arith.constant dense<0.000000e+00> : vector<1x2048xf32>
    %dot_general3A_294 = tpu.matmul %slice3A_291, %slice3A_292, %dot_general3A_293 {dimension_numbers = #tpu.dot_dimension_numbers<[1], [1], [0], [0], [0, 0, 1, 0], [], []>, transpose_lhs_hint = false} : vector<1x128xbf16>, vector<2048x128xbf16>, vector<1x2048xf32> -> vector<1x2048xf32>
    %slice3A_295 = vector.extract_strided_slice %convert_element_type3A {offsets = [0, 256], sizes = [1, 128], strides = [1, 1]} : vector<1x1024xbf16> to vector<1x128xbf16>
    %slice3A_296 = vector.extract_strided_slice %convert_element_type3A_288 {offsets = [0, 256], sizes = [2048, 128], strides = [1, 1]} : vector<2048x1024xbf16> to vector<2048x128xbf16>
    %dot_general3A_297 = arith.constant dense<0.000000e+00> : vector<1x2048xf32>
    %dot_general3A_298 = tpu.matmul %slice3A_295, %slice3A_296, %dot_general3A_297 {dimension_numbers = #tpu.dot_dimension_numbers<[1], [1], [0], [0], [0, 0, 1, 0], [], []>, transpose_lhs_hint = false} : vector<1x128xbf16>, vector<2048x128xbf16>, vector<1x2048xf32> -> vector<1x2048xf32>
    %slice3A_299 = vector.extract_strided_slice %convert_element_type3A {offsets = [0, 384], sizes = [1, 128], strides = [1, 1]} : vector<1x1024xbf16> to vector<1x128xbf16>
    %slice3A_300 = vector.extract_strided_slice %convert_element_type3A_288 {offsets = [0, 384], sizes = [2048, 128], strides = [1, 1]} : vector<2048x1024xbf16> to vector<2048x128xbf16>
    %dot_general3A_301 = arith.constant dense<0.000000e+00> : vector<1x2048xf32>
    %dot_general3A_302 = tpu.matmul %slice3A_299, %slice3A_300, %dot_general3A_301 {dimension_numbers = #tpu.dot_dimension_numbers<[1], [1], [0], [0], [0, 0, 1, 0], [], []>, transpose_lhs_hint = false} : vector<1x128xbf16>, vector<2048x128xbf16>, vector<1x2048xf32> -> vector<1x2048xf32>
    %slice3A_303 = vector.extract_strided_slice %convert_element_type3A {offsets = [0, 512], sizes = [1, 128], strides = [1, 1]} : vector<1x1024xbf16> to vector<1x128xbf16>
    %slice3A_304 = vector.extract_strided_slice %convert_element_type3A_288 {offsets = [0, 512], sizes = [2048, 128], strides = [1, 1]} : vector<2048x1024xbf16> to vector<2048x128xbf16>
    %dot_general3A_305 = arith.constant dense<0.000000e+00> : vector<1x2048xf32>
    %dot_general3A_306 = tpu.matmul %slice3A_303, %slice3A_304, %dot_general3A_305 {dimension_numbers = #tpu.dot_dimension_numbers<[1], [1], [0], [0], [0, 0, 1, 0], [], []>, transpose_lhs_hint = false} : vector<1x128xbf16>, vector<2048x128xbf16>, vector<1x2048xf32> -> vector<1x2048xf32>
    %slice3A_307 = vector.extract_strided_slice %convert_element_type3A {offsets = [0, 640], sizes = [1, 128], strides = [1, 1]} : vector<1x1024xbf16> to vector<1x128xbf16>
    %slice3A_308 = vector.extract_strided_slice %convert_element_type3A_288 {offsets = [0, 640], sizes = [2048, 128], strides = [1, 1]} : vector<2048x1024xbf16> to vector<2048x128xbf16>
    %dot_general3A_309 = arith.constant dense<0.000000e+00> : vector<1x2048xf32>
    %dot_general3A_310 = tpu.matmul %slice3A_307, %slice3A_308, %dot_general3A_309 {dimension_numbers = #tpu.dot_dimension_numbers<[1], [1], [0], [0], [0, 0, 1, 0], [], []>, transpose_lhs_hint = false} : vector<1x128xbf16>, vector<2048x128xbf16>, vector<1x2048xf32> -> vector<1x2048xf32>
    %slice3A_311 = vector.extract_strided_slice %convert_element_type3A {offsets = [0, 768], sizes = [1, 128], strides = [1, 1]} : vector<1x1024xbf16> to vector<1x128xbf16>
    %slice3A_312 = vector.extract_strided_slice %convert_element_type3A_288 {offsets = [0, 768], sizes = [2048, 128], strides = [1, 1]} : vector<2048x1024xbf16> to vector<2048x128xbf16>
    %dot_general3A_313 = arith.constant dense<0.000000e+00> : vector<1x2048xf32>
    %dot_general3A_314 = tpu.matmul %slice3A_311, %slice3A_312, %dot_general3A_313 {dimension_numbers = #tpu.dot_dimension_numbers<[1], [1], [0], [0], [0, 0, 1, 0], [], []>, transpose_lhs_hint = false} : vector<1x128xbf16>, vector<2048x128xbf16>, vector<1x2048xf32> -> vector<1x2048xf32>
    %slice3A_315 = vector.extract_strided_slice %convert_element_type3A {offsets = [0, 896], sizes = [1, 128], strides = [1, 1]} : vector<1x1024xbf16> to vector<1x128xbf16>
    %slice3A_316 = vector.extract_strided_slice %convert_element_type3A_288 {offsets = [0, 896], sizes = [2048, 128], strides = [1, 1]} : vector<2048x1024xbf16> to vector<2048x128xbf16>
    %dot_general3A_317 = arith.constant dense<0.000000e+00> : vector<1x2048xf32>
    %dot_general3A_318 = tpu.matmul %slice3A_315, %slice3A_316, %dot_general3A_317 {dimension_numbers = #tpu.dot_dimension_numbers<[1], [1], [0], [0], [0, 0, 1, 0], [], []>, transpose_lhs_hint = false} : vector<1x128xbf16>, vector<2048x128xbf16>, vector<1x2048xf32> -> vector<1x2048xf32>
    %add3A_319 = arith.addf %dot_general3A_290, %dot_general3A_294 : vector<1x2048xf32>
    %add3A_320 = arith.addf %add3A_319, %dot_general3A_298 : vector<1x2048xf32>
    %add3A_321 = arith.addf %add3A_320, %dot_general3A_302 : vector<1x2048xf32>
    %add3A_322 = arith.addf %add3A_321, %dot_general3A_306 : vector<1x2048xf32>
    %add3A_323 = arith.addf %add3A_322, %dot_general3A_310 : vector<1x2048xf32>
    %add3A_324 = arith.addf %add3A_323, %dot_general3A_314 : vector<1x2048xf32>
    %add3A_325 = arith.addf %add3A_324, %dot_general3A_318 : vector<1x2048xf32>
    %slice3A_326 = vector.extract_strided_slice %add3A_325 {offsets = [0, 0], sizes = [1, 128], strides = [1, 1]} : vector<1x2048xf32> to vector<1x128xf32>
    %slice3A_327 = vector.extract_strided_slice %add3A_325 {offsets = [0, 128], sizes = [1, 128], strides = [1, 1]} : vector<1x2048xf32> to vector<1x128xf32>
    %slice3A_328 = vector.extract_strided_slice %add3A_325 {offsets = [0, 256], sizes = [1, 128], strides = [1, 1]} : vector<1x2048xf32> to vector<1x128xf32>
    %slice3A_329 = vector.extract_strided_slice %add3A_325 {offsets = [0, 384], sizes = [1, 128], strides = [1, 1]} : vector<1x2048xf32> to vector<1x128xf32>
    %slice3A_330 = vector.extract_strided_slice %add3A_325 {offsets = [0, 512], sizes = [1, 128], strides = [1, 1]} : vector<1x2048xf32> to vector<1x128xf32>
    %slice3A_331 = vector.extract_strided_slice %add3A_325 {offsets = [0, 640], sizes = [1, 128], strides = [1, 1]} : vector<1x2048xf32> to vector<1x128xf32>
    %slice3A_332 = vector.extract_strided_slice %add3A_325 {offsets = [0, 768], sizes = [1, 128], strides = [1, 1]} : vector<1x2048xf32> to vector<1x128xf32>
    %slice3A_333 = vector.extract_strided_slice %add3A_325 {offsets = [0, 896], sizes = [1, 128], strides = [1, 1]} : vector<1x2048xf32> to vector<1x128xf32>
    %slice3A_334 = vector.extract_strided_slice %add3A_325 {offsets = [0, 1024], sizes = [1, 128], strides = [1, 1]} : vector<1x2048xf32> to vector<1x128xf32>
    %slice3A_335 = vector.extract_strided_slice %add3A_325 {offsets = [0, 1152], sizes = [1, 128], strides = [1, 1]} : vector<1x2048xf32> to vector<1x128xf32>
    %slice3A_336 = vector.extract_strided_slice %add3A_325 {offsets = [0, 1280], sizes = [1, 128], strides = [1, 1]} : vector<1x2048xf32> to vector<1x128xf32>
    %slice3A_337 = vector.extract_strided_slice %add3A_325 {offsets = [0, 1408], sizes = [1, 128], strides = [1, 1]} : vector<1x2048xf32> to vector<1x128xf32>
    %slice3A_338 = vector.extract_strided_slice %add3A_325 {offsets = [0, 1536], sizes = [1, 128], strides = [1, 1]} : vector<1x2048xf32> to vector<1x128xf32>
    %slice3A_339 = vector.extract_strided_slice %add3A_325 {offsets = [0, 1664], sizes = [1, 128], strides = [1, 1]} : vector<1x2048xf32> to vector<1x128xf32>
    %slice3A_340 = vector.extract_strided_slice %add3A_325 {offsets = [0, 1792], sizes = [1, 128], strides = [1, 1]} : vector<1x2048xf32> to vector<1x128xf32>
    %slice3A_341 = vector.extract_strided_slice %add3A_325 {offsets = [0, 1920], sizes = [1, 128], strides = [1, 1]} : vector<1x2048xf32> to vector<1x128xf32>
    %concatenate3A = tpu.concatenate %slice3A_326, %slice3A_327, %slice3A_328, %slice3A_329, %slice3A_330, %slice3A_331, %slice3A_332, %slice3A_333, %slice3A_334, %slice3A_335, %slice3A_336, %slice3A_337, %slice3A_338, %slice3A_339, %slice3A_340, %slice3A_341 in 0 : vector<1x128xf32>, vector<1x128xf32>, vector<1x128xf32>, vector<1x128xf32>, vector<1x128xf32>, vector<1x128xf32>, vector<1x128xf32>, vector<1x128xf32>, vector<1x128xf32>, vector<1x128xf32>, vector<1x128xf32>, vector<1x128xf32>, vector<1x128xf32>, vector<1x128xf32>, vector<1x128xf32>, vector<1x128xf32> -> vector<16x128xf32>
    %swap3A_342 = arith.constant 0 : index
    %swap3A_343 = arith.constant 0 : index
    %swap3A_344 = vector.load %arg4[%swap3A_342, %swap3A_343] : memref<16x128xf32, #tpu.memory_space<vmem>>, vector<16x128xf32>
    tpu.vector_store %arg4[%swap3A_342, %swap3A_343], %concatenate3A {strides = array<i32>} : memref<16x128xf32, #tpu.memory_space<vmem>>, vector<16x128xf32>,
    return
  }
  func.func @transform_0(%arg0: i32) -> (i32, i32, i32) {
    %min3A = arith.constant 31 : i32
    %min3A_0 = arith.minsi %arg0, %min3A : i32
    %c0_i32 = arith.constant 0 : i32
    %c0_i32_1 = arith.constant 0 : i32
    %c0_i32_2 = arith.constant 0 : i32
    return %min3A_0, %c0_i32, %c0_i32_1 : i32, i32, i32
  }
  func.func @transform_1(%arg0: i32) -> (i32, i32, i32) {
    %min3A = arith.constant 31 : i32
    %min3A_0 = arith.minsi %arg0, %min3A : i32
    %c0_i32 = arith.constant 0 : i32
    %c0_i32_1 = arith.constant 0 : i32
    %c0_i32_2 = arith.constant 0 : i32
    return %min3A_0, %c0_i32, %c0_i32_1 : i32, i32, i32
  }
  func.func @transform_2(%arg0: i32) -> (i32, i32, i32) {
    %sub3A = arith.constant 1 : i32
    %sub3A_0 = arith.subi %arg0, %sub3A : i32
    %max3A = arith.constant 0 : i32
    %max3A_1 = arith.maxsi %sub3A_0, %max3A : i32
    %c0_i32 = arith.constant 0 : i32
    %c0_i32_2 = arith.constant 0 : i32
    %c0_i32_3 = arith.constant 0 : i32
    return %max3A_1, %c0_i32, %c0_i32_2 : i32, i32, i32
  }
}

module attributes {stable_mosaic.version = 14 : i64} {
  func.func @_attn_kernel(%arg0: i32, %arg1: memref<1x32x1024xf32, #tpu.memory_space<vmem>>, %arg2: memref<1x16x1024xf32, #tpu.memory_space<vmem>>, %arg3: memref<1x16x1024xf32, #tpu.memory_space<vmem>>, %arg4: memref<1x32x1024xf32, #tpu.memory_space<vmem>>) attributes {dimension_semantics = [#tpu.dimension_semantics<arbitrary>], iteration_bounds = array<i64: 32>, scalar_prefetch = 0 : i64, scratch_operands = 0 : i64, tpu.core_type = #tpu.core_type<tc>, window_params = [{transform_indices = @transform_0, window_bounds = array<i64: 1, 32, 1024>}, {transform_indices = @transform_1, window_bounds = array<i64: 1, 16, 1024>}, {transform_indices = @transform_2, window_bounds = array<i64: 1, 16, 1024>}, {transform_indices = @transform_3, window_bounds = array<i64: 1, 32, 1024>}]} {
    %get3A = arith.constant 0 : index
    %get3A_0 = arith.constant 0 : index
    %get3A_1 = arith.constant 0 : index
    %get3A_2 = vector.load %arg1[%get3A, %get3A_0, %get3A_1] : memref<1x32x1024xf32, #tpu.memory_space<vmem>>, vector<1x32x1024xf32>
    %get3A_3 = vector.shape_cast %get3A_2 : vector<1x32x1024xf32> to vector<32x1024xf32>
    %get3A_4 = arith.constant 0 : index
    %get3A_5 = arith.constant 0 : index
    %get3A_6 = arith.constant 0 : index
    %get3A_7 = vector.load %arg2[%get3A_4, %get3A_5, %get3A_6] : memref<1x16x1024xf32, #tpu.memory_space<vmem>>, vector<1x10x1024xf32>
    %get3A_8 = vector.shape_cast %get3A_7 : vector<1x10x1024xf32> to vector<10x1024xf32>
    %get3A_9 = arith.constant 0 : index
    %get3A_10 = arith.constant 0 : index
    %get3A_11 = arith.constant 0 : index
    %get3A_12 = vector.load %arg3[%get3A_9, %get3A_10, %get3A_11] : memref<1x16x1024xf32, #tpu.memory_space<vmem>>, vector<1x10x1024xf32>
    %get3A_13 = vector.shape_cast %get3A_12 : vector<1x10x1024xf32> to vector<10x1024xf32>
    %slice3A = vector.extract_strided_slice %get3A_3 {offsets = [0, 0], sizes = [32, 64], strides = [1, 1]} : vector<32x1024xf32> to vector<32x64xf32>
    %convert_element_type3A = arith.truncf %slice3A : vector<32x64xf32> to vector<32x64xbf16>
    %slice3A_14 = vector.extract_strided_slice %get3A_8 {offsets = [0, 0], sizes = [10, 64], strides = [1, 1]} : vector<10x1024xf32> to vector<10x64xf32>
    %convert_element_type3A_15 = arith.truncf %slice3A_14 : vector<10x64xf32> to vector<10x64xbf16>
    %slice3A_16 = vector.extract_strided_slice %get3A_13 {offsets = [0, 0], sizes = [10, 64], strides = [1, 1]} : vector<10x1024xf32> to vector<10x64xf32>
    %convert_element_type3A_17 = arith.truncf %slice3A_16 : vector<10x64xf32> to vector<10x64xbf16>
    %dot_general3A = arith.constant dense<0.000000e+00> : vector<32x10xf32>
    %dot_general3A_18 = tpu.matmul %convert_element_type3A, %convert_element_type3A_15, %dot_general3A {dimension_numbers = #tpu.dot_dimension_numbers<[1], [1], [0], [0], [0, 0, 1, 0], [], []>, transpose_lhs_hint = false} : vector<32x64xbf16>, vector<10x64xbf16>, vector<32x10xf32> -> vector<32x10xf32>
    %reduce_max3A = arith.constant dense<0xFF800000> : vector<32xf32>
    %reduce_max3A_19 = vector.multi_reduction <maximumf>, %dot_general3A_18, %reduce_max3A [1] : vector<32x10xf32> to vector<32xf32>
    %broadcast_in_dim3A = vector.shape_cast %reduce_max3A_19 : vector<32xf32> to vector<32x1xf32>
    %sub3A = vector.broadcast %broadcast_in_dim3A : vector<32x1xf32> to vector<32x10xf32>
    %sub3A_20 = arith.subf %dot_general3A_18, %sub3A : vector<32x10xf32>
    %exp3A = math.exp %sub3A_20 : vector<32x10xf32>
    %reduce_sum3A = arith.constant dense<0.000000e+00> : vector<32xf32>
    %reduce_sum3A_21 = vector.multi_reduction <add>, %exp3A, %reduce_sum3A [1] : vector<32x10xf32> to vector<32xf32>
    %broadcast_in_dim3A_22 = vector.shape_cast %reduce_sum3A_21 : vector<32xf32> to vector<32x1xf32>
    %div3A = vector.broadcast %broadcast_in_dim3A_22 : vector<32x1xf32> to vector<32x10xf32>
    %div3A_23 = arith.divf %exp3A, %div3A : vector<32x10xf32>
    %convert_element_type3A_24 = arith.truncf %div3A_23 : vector<32x10xf32> to vector<32x10xbf16>
    %dot_general3A_25 = arith.constant dense<0.000000e+00> : vector<32x64xf32>
    %dot_general3A_26 = tpu.matmul %convert_element_type3A_24, %convert_element_type3A_17, %dot_general3A_25 {dimension_numbers = #tpu.dot_dimension_numbers<[1], [0], [0], [1], [0, 0, 1, 1], [], []>, transpose_lhs_hint = false} : vector<32x10xbf16>, vector<10x64xbf16>, vector<32x64xf32> -> vector<32x64xf32>
    %swap3A = arith.constant 0 : index
    %swap3A_27 = arith.constant 0 : index
    %swap3A_28 = arith.constant 0 : index
    %swap3A_29 = vector.load %arg4[%swap3A, %swap3A_27, %swap3A_28] : memref<1x32x1024xf32, #tpu.memory_space<vmem>>, vector<1x32x64xf32>
    %swap3A_30 = vector.shape_cast %swap3A_29 : vector<1x32x64xf32> to vector<32x64xf32>
    %swap3A_31 = vector.shape_cast %dot_general3A_26 : vector<32x64xf32> to vector<1x32x64xf32>
    tpu.vector_store %arg4[%swap3A, %swap3A_27, %swap3A_28], %swap3A_31 {strides = array<i32>} : memref<1x32x1024xf32, #tpu.memory_space<vmem>>, vector<1x32x64xf32>,
    %slice3A_32 = vector.extract_strided_slice %get3A_3 {offsets = [0, 64], sizes = [32, 64], strides = [1, 1]} : vector<32x1024xf32> to vector<32x64xf32>
    %convert_element_type3A_33 = arith.truncf %slice3A_32 : vector<32x64xf32> to vector<32x64xbf16>
    %slice3A_34 = vector.extract_strided_slice %get3A_8 {offsets = [0, 64], sizes = [10, 64], strides = [1, 1]} : vector<10x1024xf32> to vector<10x64xf32>
    %convert_element_type3A_35 = arith.truncf %slice3A_34 : vector<10x64xf32> to vector<10x64xbf16>
    %slice3A_36 = vector.extract_strided_slice %get3A_13 {offsets = [0, 64], sizes = [10, 64], strides = [1, 1]} : vector<10x1024xf32> to vector<10x64xf32>
    %convert_element_type3A_37 = arith.truncf %slice3A_36 : vector<10x64xf32> to vector<10x64xbf16>
    %dot_general3A_38 = arith.constant dense<0.000000e+00> : vector<32x10xf32>
    %dot_general3A_39 = tpu.matmul %convert_element_type3A_33, %convert_element_type3A_35, %dot_general3A_38 {dimension_numbers = #tpu.dot_dimension_numbers<[1], [1], [0], [0], [0, 0, 1, 0], [], []>, transpose_lhs_hint = false} : vector<32x64xbf16>, vector<10x64xbf16>, vector<32x10xf32> -> vector<32x10xf32>
    %reduce_max3A_40 = arith.constant dense<0xFF800000> : vector<32xf32>
    %reduce_max3A_41 = vector.multi_reduction <maximumf>, %dot_general3A_39, %reduce_max3A_40 [1] : vector<32x10xf32> to vector<32xf32>
    %broadcast_in_dim3A_42 = vector.shape_cast %reduce_max3A_41 : vector<32xf32> to vector<32x1xf32>
    %sub3A_43 = vector.broadcast %broadcast_in_dim3A_42 : vector<32x1xf32> to vector<32x10xf32>
    %sub3A_44 = arith.subf %dot_general3A_39, %sub3A_43 : vector<32x10xf32>
    %exp3A_45 = math.exp %sub3A_44 : vector<32x10xf32>
    %reduce_sum3A_46 = arith.constant dense<0.000000e+00> : vector<32xf32>
    %reduce_sum3A_47 = vector.multi_reduction <add>, %exp3A_45, %reduce_sum3A_46 [1] : vector<32x10xf32> to vector<32xf32>
    %broadcast_in_dim3A_48 = vector.shape_cast %reduce_sum3A_47 : vector<32xf32> to vector<32x1xf32>
    %div3A_49 = vector.broadcast %broadcast_in_dim3A_48 : vector<32x1xf32> to vector<32x10xf32>
    %div3A_50 = arith.divf %exp3A_45, %div3A_49 : vector<32x10xf32>
    %convert_element_type3A_51 = arith.truncf %div3A_50 : vector<32x10xf32> to vector<32x10xbf16>
    %dot_general3A_52 = arith.constant dense<0.000000e+00> : vector<32x64xf32>
    %dot_general3A_53 = tpu.matmul %convert_element_type3A_51, %convert_element_type3A_37, %dot_general3A_52 {dimension_numbers = #tpu.dot_dimension_numbers<[1], [0], [0], [1], [0, 0, 1, 1], [], []>, transpose_lhs_hint = false} : vector<32x10xbf16>, vector<10x64xbf16>, vector<32x64xf32> -> vector<32x64xf32>
    %swap3A_54 = arith.constant 0 : index
    %swap3A_55 = arith.constant 0 : index
    %swap3A_56 = arith.constant 64 : index
    %swap3A_57 = vector.load %arg4[%swap3A_54, %swap3A_55, %swap3A_56] : memref<1x32x1024xf32, #tpu.memory_space<vmem>>, vector<1x32x64xf32>
    %swap3A_58 = vector.shape_cast %swap3A_57 : vector<1x32x64xf32> to vector<32x64xf32>
    %swap3A_59 = vector.shape_cast %dot_general3A_53 : vector<32x64xf32> to vector<1x32x64xf32>
    tpu.vector_store %arg4[%swap3A_54, %swap3A_55, %swap3A_56], %swap3A_59 {strides = array<i32>} : memref<1x32x1024xf32, #tpu.memory_space<vmem>>, vector<1x32x64xf32>,
    %slice3A_60 = vector.extract_strided_slice %get3A_3 {offsets = [0, 128], sizes = [32, 64], strides = [1, 1]} : vector<32x1024xf32> to vector<32x64xf32>
    %convert_element_type3A_61 = arith.truncf %slice3A_60 : vector<32x64xf32> to vector<32x64xbf16>
    %slice3A_62 = vector.extract_strided_slice %get3A_8 {offsets = [0, 128], sizes = [10, 64], strides = [1, 1]} : vector<10x1024xf32> to vector<10x64xf32>
    %convert_element_type3A_63 = arith.truncf %slice3A_62 : vector<10x64xf32> to vector<10x64xbf16>
    %slice3A_64 = vector.extract_strided_slice %get3A_13 {offsets = [0, 128], sizes = [10, 64], strides = [1, 1]} : vector<10x1024xf32> to vector<10x64xf32>
    %convert_element_type3A_65 = arith.truncf %slice3A_64 : vector<10x64xf32> to vector<10x64xbf16>
    %dot_general3A_66 = arith.constant dense<0.000000e+00> : vector<32x10xf32>
    %dot_general3A_67 = tpu.matmul %convert_element_type3A_61, %convert_element_type3A_63, %dot_general3A_66 {dimension_numbers = #tpu.dot_dimension_numbers<[1], [1], [0], [0], [0, 0, 1, 0], [], []>, transpose_lhs_hint = false} : vector<32x64xbf16>, vector<10x64xbf16>, vector<32x10xf32> -> vector<32x10xf32>
    %reduce_max3A_68 = arith.constant dense<0xFF800000> : vector<32xf32>
    %reduce_max3A_69 = vector.multi_reduction <maximumf>, %dot_general3A_67, %reduce_max3A_68 [1] : vector<32x10xf32> to vector<32xf32>
    %broadcast_in_dim3A_70 = vector.shape_cast %reduce_max3A_69 : vector<32xf32> to vector<32x1xf32>
    %sub3A_71 = vector.broadcast %broadcast_in_dim3A_70 : vector<32x1xf32> to vector<32x10xf32>
    %sub3A_72 = arith.subf %dot_general3A_67, %sub3A_71 : vector<32x10xf32>
    %exp3A_73 = math.exp %sub3A_72 : vector<32x10xf32>
    %reduce_sum3A_74 = arith.constant dense<0.000000e+00> : vector<32xf32>
    %reduce_sum3A_75 = vector.multi_reduction <add>, %exp3A_73, %reduce_sum3A_74 [1] : vector<32x10xf32> to vector<32xf32>
    %broadcast_in_dim3A_76 = vector.shape_cast %reduce_sum3A_75 : vector<32xf32> to vector<32x1xf32>
    %div3A_77 = vector.broadcast %broadcast_in_dim3A_76 : vector<32x1xf32> to vector<32x10xf32>
    %div3A_78 = arith.divf %exp3A_73, %div3A_77 : vector<32x10xf32>
    %convert_element_type3A_79 = arith.truncf %div3A_78 : vector<32x10xf32> to vector<32x10xbf16>
    %dot_general3A_80 = arith.constant dense<0.000000e+00> : vector<32x64xf32>
    %dot_general3A_81 = tpu.matmul %convert_element_type3A_79, %convert_element_type3A_65, %dot_general3A_80 {dimension_numbers = #tpu.dot_dimension_numbers<[1], [0], [0], [1], [0, 0, 1, 1], [], []>, transpose_lhs_hint = false} : vector<32x10xbf16>, vector<10x64xbf16>, vector<32x64xf32> -> vector<32x64xf32>
    %swap3A_82 = arith.constant 0 : index
    %swap3A_83 = arith.constant 0 : index
    %swap3A_84 = arith.constant 128 : index
    %swap3A_85 = vector.load %arg4[%swap3A_82, %swap3A_83, %swap3A_84] : memref<1x32x1024xf32, #tpu.memory_space<vmem>>, vector<1x32x64xf32>
    %swap3A_86 = vector.shape_cast %swap3A_85 : vector<1x32x64xf32> to vector<32x64xf32>
    %swap3A_87 = vector.shape_cast %dot_general3A_81 : vector<32x64xf32> to vector<1x32x64xf32>
    tpu.vector_store %arg4[%swap3A_82, %swap3A_83, %swap3A_84], %swap3A_87 {strides = array<i32>} : memref<1x32x1024xf32, #tpu.memory_space<vmem>>, vector<1x32x64xf32>,
    %slice3A_88 = vector.extract_strided_slice %get3A_3 {offsets = [0, 192], sizes = [32, 64], strides = [1, 1]} : vector<32x1024xf32> to vector<32x64xf32>
    %convert_element_type3A_89 = arith.truncf %slice3A_88 : vector<32x64xf32> to vector<32x64xbf16>
    %slice3A_90 = vector.extract_strided_slice %get3A_8 {offsets = [0, 192], sizes = [10, 64], strides = [1, 1]} : vector<10x1024xf32> to vector<10x64xf32>
    %convert_element_type3A_91 = arith.truncf %slice3A_90 : vector<10x64xf32> to vector<10x64xbf16>
    %slice3A_92 = vector.extract_strided_slice %get3A_13 {offsets = [0, 192], sizes = [10, 64], strides = [1, 1]} : vector<10x1024xf32> to vector<10x64xf32>
    %convert_element_type3A_93 = arith.truncf %slice3A_92 : vector<10x64xf32> to vector<10x64xbf16>
    %dot_general3A_94 = arith.constant dense<0.000000e+00> : vector<32x10xf32>
    %dot_general3A_95 = tpu.matmul %convert_element_type3A_89, %convert_element_type3A_91, %dot_general3A_94 {dimension_numbers = #tpu.dot_dimension_numbers<[1], [1], [0], [0], [0, 0, 1, 0], [], []>, transpose_lhs_hint = false} : vector<32x64xbf16>, vector<10x64xbf16>, vector<32x10xf32> -> vector<32x10xf32>
    %reduce_max3A_96 = arith.constant dense<0xFF800000> : vector<32xf32>
    %reduce_max3A_97 = vector.multi_reduction <maximumf>, %dot_general3A_95, %reduce_max3A_96 [1] : vector<32x10xf32> to vector<32xf32>
    %broadcast_in_dim3A_98 = vector.shape_cast %reduce_max3A_97 : vector<32xf32> to vector<32x1xf32>
    %sub3A_99 = vector.broadcast %broadcast_in_dim3A_98 : vector<32x1xf32> to vector<32x10xf32>
    %sub3A_100 = arith.subf %dot_general3A_95, %sub3A_99 : vector<32x10xf32>
    %exp3A_101 = math.exp %sub3A_100 : vector<32x10xf32>
    %reduce_sum3A_102 = arith.constant dense<0.000000e+00> : vector<32xf32>
    %reduce_sum3A_103 = vector.multi_reduction <add>, %exp3A_101, %reduce_sum3A_102 [1] : vector<32x10xf32> to vector<32xf32>
    %broadcast_in_dim3A_104 = vector.shape_cast %reduce_sum3A_103 : vector<32xf32> to vector<32x1xf32>
    %div3A_105 = vector.broadcast %broadcast_in_dim3A_104 : vector<32x1xf32> to vector<32x10xf32>
    %div3A_106 = arith.divf %exp3A_101, %div3A_105 : vector<32x10xf32>
    %convert_element_type3A_107 = arith.truncf %div3A_106 : vector<32x10xf32> to vector<32x10xbf16>
    %dot_general3A_108 = arith.constant dense<0.000000e+00> : vector<32x64xf32>
    %dot_general3A_109 = tpu.matmul %convert_element_type3A_107, %convert_element_type3A_93, %dot_general3A_108 {dimension_numbers = #tpu.dot_dimension_numbers<[1], [0], [0], [1], [0, 0, 1, 1], [], []>, transpose_lhs_hint = false} : vector<32x10xbf16>, vector<10x64xbf16>, vector<32x64xf32> -> vector<32x64xf32>
    %swap3A_110 = arith.constant 0 : index
    %swap3A_111 = arith.constant 0 : index
    %swap3A_112 = arith.constant 192 : index
    %swap3A_113 = vector.load %arg4[%swap3A_110, %swap3A_111, %swap3A_112] : memref<1x32x1024xf32, #tpu.memory_space<vmem>>, vector<1x32x64xf32>
    %swap3A_114 = vector.shape_cast %swap3A_113 : vector<1x32x64xf32> to vector<32x64xf32>
    %swap3A_115 = vector.shape_cast %dot_general3A_109 : vector<32x64xf32> to vector<1x32x64xf32>
    tpu.vector_store %arg4[%swap3A_110, %swap3A_111, %swap3A_112], %swap3A_115 {strides = array<i32>} : memref<1x32x1024xf32, #tpu.memory_space<vmem>>, vector<1x32x64xf32>,
    %slice3A_116 = vector.extract_strided_slice %get3A_3 {offsets = [0, 256], sizes = [32, 64], strides = [1, 1]} : vector<32x1024xf32> to vector<32x64xf32>
    %convert_element_type3A_117 = arith.truncf %slice3A_116 : vector<32x64xf32> to vector<32x64xbf16>
    %slice3A_118 = vector.extract_strided_slice %get3A_8 {offsets = [0, 256], sizes = [10, 64], strides = [1, 1]} : vector<10x1024xf32> to vector<10x64xf32>
    %convert_element_type3A_119 = arith.truncf %slice3A_118 : vector<10x64xf32> to vector<10x64xbf16>
    %slice3A_120 = vector.extract_strided_slice %get3A_13 {offsets = [0, 256], sizes = [10, 64], strides = [1, 1]} : vector<10x1024xf32> to vector<10x64xf32>
    %convert_element_type3A_121 = arith.truncf %slice3A_120 : vector<10x64xf32> to vector<10x64xbf16>
    %dot_general3A_122 = arith.constant dense<0.000000e+00> : vector<32x10xf32>
    %dot_general3A_123 = tpu.matmul %convert_element_type3A_117, %convert_element_type3A_119, %dot_general3A_122 {dimension_numbers = #tpu.dot_dimension_numbers<[1], [1], [0], [0], [0, 0, 1, 0], [], []>, transpose_lhs_hint = false} : vector<32x64xbf16>, vector<10x64xbf16>, vector<32x10xf32> -> vector<32x10xf32>
    %reduce_max3A_124 = arith.constant dense<0xFF800000> : vector<32xf32>
    %reduce_max3A_125 = vector.multi_reduction <maximumf>, %dot_general3A_123, %reduce_max3A_124 [1] : vector<32x10xf32> to vector<32xf32>
    %broadcast_in_dim3A_126 = vector.shape_cast %reduce_max3A_125 : vector<32xf32> to vector<32x1xf32>
    %sub3A_127 = vector.broadcast %broadcast_in_dim3A_126 : vector<32x1xf32> to vector<32x10xf32>
    %sub3A_128 = arith.subf %dot_general3A_123, %sub3A_127 : vector<32x10xf32>
    %exp3A_129 = math.exp %sub3A_128 : vector<32x10xf32>
    %reduce_sum3A_130 = arith.constant dense<0.000000e+00> : vector<32xf32>
    %reduce_sum3A_131 = vector.multi_reduction <add>, %exp3A_129, %reduce_sum3A_130 [1] : vector<32x10xf32> to vector<32xf32>
    %broadcast_in_dim3A_132 = vector.shape_cast %reduce_sum3A_131 : vector<32xf32> to vector<32x1xf32>
    %div3A_133 = vector.broadcast %broadcast_in_dim3A_132 : vector<32x1xf32> to vector<32x10xf32>
    %div3A_134 = arith.divf %exp3A_129, %div3A_133 : vector<32x10xf32>
    %convert_element_type3A_135 = arith.truncf %div3A_134 : vector<32x10xf32> to vector<32x10xbf16>
    %dot_general3A_136 = arith.constant dense<0.000000e+00> : vector<32x64xf32>
    %dot_general3A_137 = tpu.matmul %convert_element_type3A_135, %convert_element_type3A_121, %dot_general3A_136 {dimension_numbers = #tpu.dot_dimension_numbers<[1], [0], [0], [1], [0, 0, 1, 1], [], []>, transpose_lhs_hint = false} : vector<32x10xbf16>, vector<10x64xbf16>, vector<32x64xf32> -> vector<32x64xf32>
    %swap3A_138 = arith.constant 0 : index
    %swap3A_139 = arith.constant 0 : index
    %swap3A_140 = arith.constant 256 : index
    %swap3A_141 = vector.load %arg4[%swap3A_138, %swap3A_139, %swap3A_140] : memref<1x32x1024xf32, #tpu.memory_space<vmem>>, vector<1x32x64xf32>
    %swap3A_142 = vector.shape_cast %swap3A_141 : vector<1x32x64xf32> to vector<32x64xf32>
    %swap3A_143 = vector.shape_cast %dot_general3A_137 : vector<32x64xf32> to vector<1x32x64xf32>
    tpu.vector_store %arg4[%swap3A_138, %swap3A_139, %swap3A_140], %swap3A_143 {strides = array<i32>} : memref<1x32x1024xf32, #tpu.memory_space<vmem>>, vector<1x32x64xf32>,
    %slice3A_144 = vector.extract_strided_slice %get3A_3 {offsets = [0, 320], sizes = [32, 64], strides = [1, 1]} : vector<32x1024xf32> to vector<32x64xf32>
    %convert_element_type3A_145 = arith.truncf %slice3A_144 : vector<32x64xf32> to vector<32x64xbf16>
    %slice3A_146 = vector.extract_strided_slice %get3A_8 {offsets = [0, 320], sizes = [10, 64], strides = [1, 1]} : vector<10x1024xf32> to vector<10x64xf32>
    %convert_element_type3A_147 = arith.truncf %slice3A_146 : vector<10x64xf32> to vector<10x64xbf16>
    %slice3A_148 = vector.extract_strided_slice %get3A_13 {offsets = [0, 320], sizes = [10, 64], strides = [1, 1]} : vector<10x1024xf32> to vector<10x64xf32>
    %convert_element_type3A_149 = arith.truncf %slice3A_148 : vector<10x64xf32> to vector<10x64xbf16>
    %dot_general3A_150 = arith.constant dense<0.000000e+00> : vector<32x10xf32>
    %dot_general3A_151 = tpu.matmul %convert_element_type3A_145, %convert_element_type3A_147, %dot_general3A_150 {dimension_numbers = #tpu.dot_dimension_numbers<[1], [1], [0], [0], [0, 0, 1, 0], [], []>, transpose_lhs_hint = false} : vector<32x64xbf16>, vector<10x64xbf16>, vector<32x10xf32> -> vector<32x10xf32>
    %reduce_max3A_152 = arith.constant dense<0xFF800000> : vector<32xf32>
    %reduce_max3A_153 = vector.multi_reduction <maximumf>, %dot_general3A_151, %reduce_max3A_152 [1] : vector<32x10xf32> to vector<32xf32>
    %broadcast_in_dim3A_154 = vector.shape_cast %reduce_max3A_153 : vector<32xf32> to vector<32x1xf32>
    %sub3A_155 = vector.broadcast %broadcast_in_dim3A_154 : vector<32x1xf32> to vector<32x10xf32>
    %sub3A_156 = arith.subf %dot_general3A_151, %sub3A_155 : vector<32x10xf32>
    %exp3A_157 = math.exp %sub3A_156 : vector<32x10xf32>
    %reduce_sum3A_158 = arith.constant dense<0.000000e+00> : vector<32xf32>
    %reduce_sum3A_159 = vector.multi_reduction <add>, %exp3A_157, %reduce_sum3A_158 [1] : vector<32x10xf32> to vector<32xf32>
    %broadcast_in_dim3A_160 = vector.shape_cast %reduce_sum3A_159 : vector<32xf32> to vector<32x1xf32>
    %div3A_161 = vector.broadcast %broadcast_in_dim3A_160 : vector<32x1xf32> to vector<32x10xf32>
    %div3A_162 = arith.divf %exp3A_157, %div3A_161 : vector<32x10xf32>
    %convert_element_type3A_163 = arith.truncf %div3A_162 : vector<32x10xf32> to vector<32x10xbf16>
    %dot_general3A_164 = arith.constant dense<0.000000e+00> : vector<32x64xf32>
    %dot_general3A_165 = tpu.matmul %convert_element_type3A_163, %convert_element_type3A_149, %dot_general3A_164 {dimension_numbers = #tpu.dot_dimension_numbers<[1], [0], [0], [1], [0, 0, 1, 1], [], []>, transpose_lhs_hint = false} : vector<32x10xbf16>, vector<10x64xbf16>, vector<32x64xf32> -> vector<32x64xf32>
    %swap3A_166 = arith.constant 0 : index
    %swap3A_167 = arith.constant 0 : index
    %swap3A_168 = arith.constant 320 : index
    %swap3A_169 = vector.load %arg4[%swap3A_166, %swap3A_167, %swap3A_168] : memref<1x32x1024xf32, #tpu.memory_space<vmem>>, vector<1x32x64xf32>
    %swap3A_170 = vector.shape_cast %swap3A_169 : vector<1x32x64xf32> to vector<32x64xf32>
    %swap3A_171 = vector.shape_cast %dot_general3A_165 : vector<32x64xf32> to vector<1x32x64xf32>
    tpu.vector_store %arg4[%swap3A_166, %swap3A_167, %swap3A_168], %swap3A_171 {strides = array<i32>} : memref<1x32x1024xf32, #tpu.memory_space<vmem>>, vector<1x32x64xf32>,
    %slice3A_172 = vector.extract_strided_slice %get3A_3 {offsets = [0, 384], sizes = [32, 64], strides = [1, 1]} : vector<32x1024xf32> to vector<32x64xf32>
    %convert_element_type3A_173 = arith.truncf %slice3A_172 : vector<32x64xf32> to vector<32x64xbf16>
    %slice3A_174 = vector.extract_strided_slice %get3A_8 {offsets = [0, 384], sizes = [10, 64], strides = [1, 1]} : vector<10x1024xf32> to vector<10x64xf32>
    %convert_element_type3A_175 = arith.truncf %slice3A_174 : vector<10x64xf32> to vector<10x64xbf16>
    %slice3A_176 = vector.extract_strided_slice %get3A_13 {offsets = [0, 384], sizes = [10, 64], strides = [1, 1]} : vector<10x1024xf32> to vector<10x64xf32>
    %convert_element_type3A_177 = arith.truncf %slice3A_176 : vector<10x64xf32> to vector<10x64xbf16>
    %dot_general3A_178 = arith.constant dense<0.000000e+00> : vector<32x10xf32>
    %dot_general3A_179 = tpu.matmul %convert_element_type3A_173, %convert_element_type3A_175, %dot_general3A_178 {dimension_numbers = #tpu.dot_dimension_numbers<[1], [1], [0], [0], [0, 0, 1, 0], [], []>, transpose_lhs_hint = false} : vector<32x64xbf16>, vector<10x64xbf16>, vector<32x10xf32> -> vector<32x10xf32>
    %reduce_max3A_180 = arith.constant dense<0xFF800000> : vector<32xf32>
    %reduce_max3A_181 = vector.multi_reduction <maximumf>, %dot_general3A_179, %reduce_max3A_180 [1] : vector<32x10xf32> to vector<32xf32>
    %broadcast_in_dim3A_182 = vector.shape_cast %reduce_max3A_181 : vector<32xf32> to vector<32x1xf32>
    %sub3A_183 = vector.broadcast %broadcast_in_dim3A_182 : vector<32x1xf32> to vector<32x10xf32>
    %sub3A_184 = arith.subf %dot_general3A_179, %sub3A_183 : vector<32x10xf32>
    %exp3A_185 = math.exp %sub3A_184 : vector<32x10xf32>
    %reduce_sum3A_186 = arith.constant dense<0.000000e+00> : vector<32xf32>
    %reduce_sum3A_187 = vector.multi_reduction <add>, %exp3A_185, %reduce_sum3A_186 [1] : vector<32x10xf32> to vector<32xf32>
    %broadcast_in_dim3A_188 = vector.shape_cast %reduce_sum3A_187 : vector<32xf32> to vector<32x1xf32>
    %div3A_189 = vector.broadcast %broadcast_in_dim3A_188 : vector<32x1xf32> to vector<32x10xf32>
    %div3A_190 = arith.divf %exp3A_185, %div3A_189 : vector<32x10xf32>
    %convert_element_type3A_191 = arith.truncf %div3A_190 : vector<32x10xf32> to vector<32x10xbf16>
    %dot_general3A_192 = arith.constant dense<0.000000e+00> : vector<32x64xf32>
    %dot_general3A_193 = tpu.matmul %convert_element_type3A_191, %convert_element_type3A_177, %dot_general3A_192 {dimension_numbers = #tpu.dot_dimension_numbers<[1], [0], [0], [1], [0, 0, 1, 1], [], []>, transpose_lhs_hint = false} : vector<32x10xbf16>, vector<10x64xbf16>, vector<32x64xf32> -> vector<32x64xf32>
    %swap3A_194 = arith.constant 0 : index
    %swap3A_195 = arith.constant 0 : index
    %swap3A_196 = arith.constant 384 : index
    %swap3A_197 = vector.load %arg4[%swap3A_194, %swap3A_195, %swap3A_196] : memref<1x32x1024xf32, #tpu.memory_space<vmem>>, vector<1x32x64xf32>
    %swap3A_198 = vector.shape_cast %swap3A_197 : vector<1x32x64xf32> to vector<32x64xf32>
    %swap3A_199 = vector.shape_cast %dot_general3A_193 : vector<32x64xf32> to vector<1x32x64xf32>
    tpu.vector_store %arg4[%swap3A_194, %swap3A_195, %swap3A_196], %swap3A_199 {strides = array<i32>} : memref<1x32x1024xf32, #tpu.memory_space<vmem>>, vector<1x32x64xf32>,
    %slice3A_200 = vector.extract_strided_slice %get3A_3 {offsets = [0, 448], sizes = [32, 64], strides = [1, 1]} : vector<32x1024xf32> to vector<32x64xf32>
    %convert_element_type3A_201 = arith.truncf %slice3A_200 : vector<32x64xf32> to vector<32x64xbf16>
    %slice3A_202 = vector.extract_strided_slice %get3A_8 {offsets = [0, 448], sizes = [10, 64], strides = [1, 1]} : vector<10x1024xf32> to vector<10x64xf32>
    %convert_element_type3A_203 = arith.truncf %slice3A_202 : vector<10x64xf32> to vector<10x64xbf16>
    %slice3A_204 = vector.extract_strided_slice %get3A_13 {offsets = [0, 448], sizes = [10, 64], strides = [1, 1]} : vector<10x1024xf32> to vector<10x64xf32>
    %convert_element_type3A_205 = arith.truncf %slice3A_204 : vector<10x64xf32> to vector<10x64xbf16>
    %dot_general3A_206 = arith.constant dense<0.000000e+00> : vector<32x10xf32>
    %dot_general3A_207 = tpu.matmul %convert_element_type3A_201, %convert_element_type3A_203, %dot_general3A_206 {dimension_numbers = #tpu.dot_dimension_numbers<[1], [1], [0], [0], [0, 0, 1, 0], [], []>, transpose_lhs_hint = false} : vector<32x64xbf16>, vector<10x64xbf16>, vector<32x10xf32> -> vector<32x10xf32>
    %reduce_max3A_208 = arith.constant dense<0xFF800000> : vector<32xf32>
    %reduce_max3A_209 = vector.multi_reduction <maximumf>, %dot_general3A_207, %reduce_max3A_208 [1] : vector<32x10xf32> to vector<32xf32>
    %broadcast_in_dim3A_210 = vector.shape_cast %reduce_max3A_209 : vector<32xf32> to vector<32x1xf32>
    %sub3A_211 = vector.broadcast %broadcast_in_dim3A_210 : vector<32x1xf32> to vector<32x10xf32>
    %sub3A_212 = arith.subf %dot_general3A_207, %sub3A_211 : vector<32x10xf32>
    %exp3A_213 = math.exp %sub3A_212 : vector<32x10xf32>
    %reduce_sum3A_214 = arith.constant dense<0.000000e+00> : vector<32xf32>
    %reduce_sum3A_215 = vector.multi_reduction <add>, %exp3A_213, %reduce_sum3A_214 [1] : vector<32x10xf32> to vector<32xf32>
    %broadcast_in_dim3A_216 = vector.shape_cast %reduce_sum3A_215 : vector<32xf32> to vector<32x1xf32>
    %div3A_217 = vector.broadcast %broadcast_in_dim3A_216 : vector<32x1xf32> to vector<32x10xf32>
    %div3A_218 = arith.divf %exp3A_213, %div3A_217 : vector<32x10xf32>
    %convert_element_type3A_219 = arith.truncf %div3A_218 : vector<32x10xf32> to vector<32x10xbf16>
    %dot_general3A_220 = arith.constant dense<0.000000e+00> : vector<32x64xf32>
    %dot_general3A_221 = tpu.matmul %convert_element_type3A_219, %convert_element_type3A_205, %dot_general3A_220 {dimension_numbers = #tpu.dot_dimension_numbers<[1], [0], [0], [1], [0, 0, 1, 1], [], []>, transpose_lhs_hint = false} : vector<32x10xbf16>, vector<10x64xbf16>, vector<32x64xf32> -> vector<32x64xf32>
    %swap3A_222 = arith.constant 0 : index
    %swap3A_223 = arith.constant 0 : index
    %swap3A_224 = arith.constant 448 : index
    %swap3A_225 = vector.load %arg4[%swap3A_222, %swap3A_223, %swap3A_224] : memref<1x32x1024xf32, #tpu.memory_space<vmem>>, vector<1x32x64xf32>
    %swap3A_226 = vector.shape_cast %swap3A_225 : vector<1x32x64xf32> to vector<32x64xf32>
    %swap3A_227 = vector.shape_cast %dot_general3A_221 : vector<32x64xf32> to vector<1x32x64xf32>
    tpu.vector_store %arg4[%swap3A_222, %swap3A_223, %swap3A_224], %swap3A_227 {strides = array<i32>} : memref<1x32x1024xf32, #tpu.memory_space<vmem>>, vector<1x32x64xf32>,
    %slice3A_228 = vector.extract_strided_slice %get3A_3 {offsets = [0, 512], sizes = [32, 64], strides = [1, 1]} : vector<32x1024xf32> to vector<32x64xf32>
    %convert_element_type3A_229 = arith.truncf %slice3A_228 : vector<32x64xf32> to vector<32x64xbf16>
    %slice3A_230 = vector.extract_strided_slice %get3A_8 {offsets = [0, 512], sizes = [10, 64], strides = [1, 1]} : vector<10x1024xf32> to vector<10x64xf32>
    %convert_element_type3A_231 = arith.truncf %slice3A_230 : vector<10x64xf32> to vector<10x64xbf16>
    %slice3A_232 = vector.extract_strided_slice %get3A_13 {offsets = [0, 512], sizes = [10, 64], strides = [1, 1]} : vector<10x1024xf32> to vector<10x64xf32>
    %convert_element_type3A_233 = arith.truncf %slice3A_232 : vector<10x64xf32> to vector<10x64xbf16>
    %dot_general3A_234 = arith.constant dense<0.000000e+00> : vector<32x10xf32>
    %dot_general3A_235 = tpu.matmul %convert_element_type3A_229, %convert_element_type3A_231, %dot_general3A_234 {dimension_numbers = #tpu.dot_dimension_numbers<[1], [1], [0], [0], [0, 0, 1, 0], [], []>, transpose_lhs_hint = false} : vector<32x64xbf16>, vector<10x64xbf16>, vector<32x10xf32> -> vector<32x10xf32>
    %reduce_max3A_236 = arith.constant dense<0xFF800000> : vector<32xf32>
    %reduce_max3A_237 = vector.multi_reduction <maximumf>, %dot_general3A_235, %reduce_max3A_236 [1] : vector<32x10xf32> to vector<32xf32>
    %broadcast_in_dim3A_238 = vector.shape_cast %reduce_max3A_237 : vector<32xf32> to vector<32x1xf32>
    %sub3A_239 = vector.broadcast %broadcast_in_dim3A_238 : vector<32x1xf32> to vector<32x10xf32>
    %sub3A_240 = arith.subf %dot_general3A_235, %sub3A_239 : vector<32x10xf32>
    %exp3A_241 = math.exp %sub3A_240 : vector<32x10xf32>
    %reduce_sum3A_242 = arith.constant dense<0.000000e+00> : vector<32xf32>
    %reduce_sum3A_243 = vector.multi_reduction <add>, %exp3A_241, %reduce_sum3A_242 [1] : vector<32x10xf32> to vector<32xf32>
    %broadcast_in_dim3A_244 = vector.shape_cast %reduce_sum3A_243 : vector<32xf32> to vector<32x1xf32>
    %div3A_245 = vector.broadcast %broadcast_in_dim3A_244 : vector<32x1xf32> to vector<32x10xf32>
    %div3A_246 = arith.divf %exp3A_241, %div3A_245 : vector<32x10xf32>
    %convert_element_type3A_247 = arith.truncf %div3A_246 : vector<32x10xf32> to vector<32x10xbf16>
    %dot_general3A_248 = arith.constant dense<0.000000e+00> : vector<32x64xf32>
    %dot_general3A_249 = tpu.matmul %convert_element_type3A_247, %convert_element_type3A_233, %dot_general3A_248 {dimension_numbers = #tpu.dot_dimension_numbers<[1], [0], [0], [1], [0, 0, 1, 1], [], []>, transpose_lhs_hint = false} : vector<32x10xbf16>, vector<10x64xbf16>, vector<32x64xf32> -> vector<32x64xf32>
    %swap3A_250 = arith.constant 0 : index
    %swap3A_251 = arith.constant 0 : index
    %swap3A_252 = arith.constant 512 : index
    %swap3A_253 = vector.load %arg4[%swap3A_250, %swap3A_251, %swap3A_252] : memref<1x32x1024xf32, #tpu.memory_space<vmem>>, vector<1x32x64xf32>
    %swap3A_254 = vector.shape_cast %swap3A_253 : vector<1x32x64xf32> to vector<32x64xf32>
    %swap3A_255 = vector.shape_cast %dot_general3A_249 : vector<32x64xf32> to vector<1x32x64xf32>
    tpu.vector_store %arg4[%swap3A_250, %swap3A_251, %swap3A_252], %swap3A_255 {strides = array<i32>} : memref<1x32x1024xf32, #tpu.memory_space<vmem>>, vector<1x32x64xf32>,
    %slice3A_256 = vector.extract_strided_slice %get3A_3 {offsets = [0, 576], sizes = [32, 64], strides = [1, 1]} : vector<32x1024xf32> to vector<32x64xf32>
    %convert_element_type3A_257 = arith.truncf %slice3A_256 : vector<32x64xf32> to vector<32x64xbf16>
    %slice3A_258 = vector.extract_strided_slice %get3A_8 {offsets = [0, 576], sizes = [10, 64], strides = [1, 1]} : vector<10x1024xf32> to vector<10x64xf32>
    %convert_element_type3A_259 = arith.truncf %slice3A_258 : vector<10x64xf32> to vector<10x64xbf16>
    %slice3A_260 = vector.extract_strided_slice %get3A_13 {offsets = [0, 576], sizes = [10, 64], strides = [1, 1]} : vector<10x1024xf32> to vector<10x64xf32>
    %convert_element_type3A_261 = arith.truncf %slice3A_260 : vector<10x64xf32> to vector<10x64xbf16>
    %dot_general3A_262 = arith.constant dense<0.000000e+00> : vector<32x10xf32>
    %dot_general3A_263 = tpu.matmul %convert_element_type3A_257, %convert_element_type3A_259, %dot_general3A_262 {dimension_numbers = #tpu.dot_dimension_numbers<[1], [1], [0], [0], [0, 0, 1, 0], [], []>, transpose_lhs_hint = false} : vector<32x64xbf16>, vector<10x64xbf16>, vector<32x10xf32> -> vector<32x10xf32>
    %reduce_max3A_264 = arith.constant dense<0xFF800000> : vector<32xf32>
    %reduce_max3A_265 = vector.multi_reduction <maximumf>, %dot_general3A_263, %reduce_max3A_264 [1] : vector<32x10xf32> to vector<32xf32>
    %broadcast_in_dim3A_266 = vector.shape_cast %reduce_max3A_265 : vector<32xf32> to vector<32x1xf32>
    %sub3A_267 = vector.broadcast %broadcast_in_dim3A_266 : vector<32x1xf32> to vector<32x10xf32>
    %sub3A_268 = arith.subf %dot_general3A_263, %sub3A_267 : vector<32x10xf32>
    %exp3A_269 = math.exp %sub3A_268 : vector<32x10xf32>
    %reduce_sum3A_270 = arith.constant dense<0.000000e+00> : vector<32xf32>
    %reduce_sum3A_271 = vector.multi_reduction <add>, %exp3A_269, %reduce_sum3A_270 [1] : vector<32x10xf32> to vector<32xf32>
    %broadcast_in_dim3A_272 = vector.shape_cast %reduce_sum3A_271 : vector<32xf32> to vector<32x1xf32>
    %div3A_273 = vector.broadcast %broadcast_in_dim3A_272 : vector<32x1xf32> to vector<32x10xf32>
    %div3A_274 = arith.divf %exp3A_269, %div3A_273 : vector<32x10xf32>
    %convert_element_type3A_275 = arith.truncf %div3A_274 : vector<32x10xf32> to vector<32x10xbf16>
    %dot_general3A_276 = arith.constant dense<0.000000e+00> : vector<32x64xf32>
    %dot_general3A_277 = tpu.matmul %convert_element_type3A_275, %convert_element_type3A_261, %dot_general3A_276 {dimension_numbers = #tpu.dot_dimension_numbers<[1], [0], [0], [1], [0, 0, 1, 1], [], []>, transpose_lhs_hint = false} : vector<32x10xbf16>, vector<10x64xbf16>, vector<32x64xf32> -> vector<32x64xf32>
    %swap3A_278 = arith.constant 0 : index
    %swap3A_279 = arith.constant 0 : index
    %swap3A_280 = arith.constant 576 : index
    %swap3A_281 = vector.load %arg4[%swap3A_278, %swap3A_279, %swap3A_280] : memref<1x32x1024xf32, #tpu.memory_space<vmem>>, vector<1x32x64xf32>
    %swap3A_282 = vector.shape_cast %swap3A_281 : vector<1x32x64xf32> to vector<32x64xf32>
    %swap3A_283 = vector.shape_cast %dot_general3A_277 : vector<32x64xf32> to vector<1x32x64xf32>
    tpu.vector_store %arg4[%swap3A_278, %swap3A_279, %swap3A_280], %swap3A_283 {strides = array<i32>} : memref<1x32x1024xf32, #tpu.memory_space<vmem>>, vector<1x32x64xf32>,
    %slice3A_284 = vector.extract_strided_slice %get3A_3 {offsets = [0, 640], sizes = [32, 64], strides = [1, 1]} : vector<32x1024xf32> to vector<32x64xf32>
    %convert_element_type3A_285 = arith.truncf %slice3A_284 : vector<32x64xf32> to vector<32x64xbf16>
    %slice3A_286 = vector.extract_strided_slice %get3A_8 {offsets = [0, 640], sizes = [10, 64], strides = [1, 1]} : vector<10x1024xf32> to vector<10x64xf32>
    %convert_element_type3A_287 = arith.truncf %slice3A_286 : vector<10x64xf32> to vector<10x64xbf16>
    %slice3A_288 = vector.extract_strided_slice %get3A_13 {offsets = [0, 640], sizes = [10, 64], strides = [1, 1]} : vector<10x1024xf32> to vector<10x64xf32>
    %convert_element_type3A_289 = arith.truncf %slice3A_288 : vector<10x64xf32> to vector<10x64xbf16>
    %dot_general3A_290 = arith.constant dense<0.000000e+00> : vector<32x10xf32>
    %dot_general3A_291 = tpu.matmul %convert_element_type3A_285, %convert_element_type3A_287, %dot_general3A_290 {dimension_numbers = #tpu.dot_dimension_numbers<[1], [1], [0], [0], [0, 0, 1, 0], [], []>, transpose_lhs_hint = false} : vector<32x64xbf16>, vector<10x64xbf16>, vector<32x10xf32> -> vector<32x10xf32>
    %reduce_max3A_292 = arith.constant dense<0xFF800000> : vector<32xf32>
    %reduce_max3A_293 = vector.multi_reduction <maximumf>, %dot_general3A_291, %reduce_max3A_292 [1] : vector<32x10xf32> to vector<32xf32>
    %broadcast_in_dim3A_294 = vector.shape_cast %reduce_max3A_293 : vector<32xf32> to vector<32x1xf32>
    %sub3A_295 = vector.broadcast %broadcast_in_dim3A_294 : vector<32x1xf32> to vector<32x10xf32>
    %sub3A_296 = arith.subf %dot_general3A_291, %sub3A_295 : vector<32x10xf32>
    %exp3A_297 = math.exp %sub3A_296 : vector<32x10xf32>
    %reduce_sum3A_298 = arith.constant dense<0.000000e+00> : vector<32xf32>
    %reduce_sum3A_299 = vector.multi_reduction <add>, %exp3A_297, %reduce_sum3A_298 [1] : vector<32x10xf32> to vector<32xf32>
    %broadcast_in_dim3A_300 = vector.shape_cast %reduce_sum3A_299 : vector<32xf32> to vector<32x1xf32>
    %div3A_301 = vector.broadcast %broadcast_in_dim3A_300 : vector<32x1xf32> to vector<32x10xf32>
    %div3A_302 = arith.divf %exp3A_297, %div3A_301 : vector<32x10xf32>
    %convert_element_type3A_303 = arith.truncf %div3A_302 : vector<32x10xf32> to vector<32x10xbf16>
    %dot_general3A_304 = arith.constant dense<0.000000e+00> : vector<32x64xf32>
    %dot_general3A_305 = tpu.matmul %convert_element_type3A_303, %convert_element_type3A_289, %dot_general3A_304 {dimension_numbers = #tpu.dot_dimension_numbers<[1], [0], [0], [1], [0, 0, 1, 1], [], []>, transpose_lhs_hint = false} : vector<32x10xbf16>, vector<10x64xbf16>, vector<32x64xf32> -> vector<32x64xf32>
    %swap3A_306 = arith.constant 0 : index
    %swap3A_307 = arith.constant 0 : index
    %swap3A_308 = arith.constant 640 : index
    %swap3A_309 = vector.load %arg4[%swap3A_306, %swap3A_307, %swap3A_308] : memref<1x32x1024xf32, #tpu.memory_space<vmem>>, vector<1x32x64xf32>
    %swap3A_310 = vector.shape_cast %swap3A_309 : vector<1x32x64xf32> to vector<32x64xf32>
    %swap3A_311 = vector.shape_cast %dot_general3A_305 : vector<32x64xf32> to vector<1x32x64xf32>
    tpu.vector_store %arg4[%swap3A_306, %swap3A_307, %swap3A_308], %swap3A_311 {strides = array<i32>} : memref<1x32x1024xf32, #tpu.memory_space<vmem>>, vector<1x32x64xf32>,
    %slice3A_312 = vector.extract_strided_slice %get3A_3 {offsets = [0, 704], sizes = [32, 64], strides = [1, 1]} : vector<32x1024xf32> to vector<32x64xf32>
    %convert_element_type3A_313 = arith.truncf %slice3A_312 : vector<32x64xf32> to vector<32x64xbf16>
    %slice3A_314 = vector.extract_strided_slice %get3A_8 {offsets = [0, 704], sizes = [10, 64], strides = [1, 1]} : vector<10x1024xf32> to vector<10x64xf32>
    %convert_element_type3A_315 = arith.truncf %slice3A_314 : vector<10x64xf32> to vector<10x64xbf16>
    %slice3A_316 = vector.extract_strided_slice %get3A_13 {offsets = [0, 704], sizes = [10, 64], strides = [1, 1]} : vector<10x1024xf32> to vector<10x64xf32>
    %convert_element_type3A_317 = arith.truncf %slice3A_316 : vector<10x64xf32> to vector<10x64xbf16>
    %dot_general3A_318 = arith.constant dense<0.000000e+00> : vector<32x10xf32>
    %dot_general3A_319 = tpu.matmul %convert_element_type3A_313, %convert_element_type3A_315, %dot_general3A_318 {dimension_numbers = #tpu.dot_dimension_numbers<[1], [1], [0], [0], [0, 0, 1, 0], [], []>, transpose_lhs_hint = false} : vector<32x64xbf16>, vector<10x64xbf16>, vector<32x10xf32> -> vector<32x10xf32>
    %reduce_max3A_320 = arith.constant dense<0xFF800000> : vector<32xf32>
    %reduce_max3A_321 = vector.multi_reduction <maximumf>, %dot_general3A_319, %reduce_max3A_320 [1] : vector<32x10xf32> to vector<32xf32>
    %broadcast_in_dim3A_322 = vector.shape_cast %reduce_max3A_321 : vector<32xf32> to vector<32x1xf32>
    %sub3A_323 = vector.broadcast %broadcast_in_dim3A_322 : vector<32x1xf32> to vector<32x10xf32>
    %sub3A_324 = arith.subf %dot_general3A_319, %sub3A_323 : vector<32x10xf32>
    %exp3A_325 = math.exp %sub3A_324 : vector<32x10xf32>
    %reduce_sum3A_326 = arith.constant dense<0.000000e+00> : vector<32xf32>
    %reduce_sum3A_327 = vector.multi_reduction <add>, %exp3A_325, %reduce_sum3A_326 [1] : vector<32x10xf32> to vector<32xf32>
    %broadcast_in_dim3A_328 = vector.shape_cast %reduce_sum3A_327 : vector<32xf32> to vector<32x1xf32>
    %div3A_329 = vector.broadcast %broadcast_in_dim3A_328 : vector<32x1xf32> to vector<32x10xf32>
    %div3A_330 = arith.divf %exp3A_325, %div3A_329 : vector<32x10xf32>
    %convert_element_type3A_331 = arith.truncf %div3A_330 : vector<32x10xf32> to vector<32x10xbf16>
    %dot_general3A_332 = arith.constant dense<0.000000e+00> : vector<32x64xf32>
    %dot_general3A_333 = tpu.matmul %convert_element_type3A_331, %convert_element_type3A_317, %dot_general3A_332 {dimension_numbers = #tpu.dot_dimension_numbers<[1], [0], [0], [1], [0, 0, 1, 1], [], []>, transpose_lhs_hint = false} : vector<32x10xbf16>, vector<10x64xbf16>, vector<32x64xf32> -> vector<32x64xf32>
    %swap3A_334 = arith.constant 0 : index
    %swap3A_335 = arith.constant 0 : index
    %swap3A_336 = arith.constant 704 : index
    %swap3A_337 = vector.load %arg4[%swap3A_334, %swap3A_335, %swap3A_336] : memref<1x32x1024xf32, #tpu.memory_space<vmem>>, vector<1x32x64xf32>
    %swap3A_338 = vector.shape_cast %swap3A_337 : vector<1x32x64xf32> to vector<32x64xf32>
    %swap3A_339 = vector.shape_cast %dot_general3A_333 : vector<32x64xf32> to vector<1x32x64xf32>
    tpu.vector_store %arg4[%swap3A_334, %swap3A_335, %swap3A_336], %swap3A_339 {strides = array<i32>} : memref<1x32x1024xf32, #tpu.memory_space<vmem>>, vector<1x32x64xf32>,
    %slice3A_340 = vector.extract_strided_slice %get3A_3 {offsets = [0, 768], sizes = [32, 64], strides = [1, 1]} : vector<32x1024xf32> to vector<32x64xf32>
    %convert_element_type3A_341 = arith.truncf %slice3A_340 : vector<32x64xf32> to vector<32x64xbf16>
    %slice3A_342 = vector.extract_strided_slice %get3A_8 {offsets = [0, 768], sizes = [10, 64], strides = [1, 1]} : vector<10x1024xf32> to vector<10x64xf32>
    %convert_element_type3A_343 = arith.truncf %slice3A_342 : vector<10x64xf32> to vector<10x64xbf16>
    %slice3A_344 = vector.extract_strided_slice %get3A_13 {offsets = [0, 768], sizes = [10, 64], strides = [1, 1]} : vector<10x1024xf32> to vector<10x64xf32>
    %convert_element_type3A_345 = arith.truncf %slice3A_344 : vector<10x64xf32> to vector<10x64xbf16>
    %dot_general3A_346 = arith.constant dense<0.000000e+00> : vector<32x10xf32>
    %dot_general3A_347 = tpu.matmul %convert_element_type3A_341, %convert_element_type3A_343, %dot_general3A_346 {dimension_numbers = #tpu.dot_dimension_numbers<[1], [1], [0], [0], [0, 0, 1, 0], [], []>, transpose_lhs_hint = false} : vector<32x64xbf16>, vector<10x64xbf16>, vector<32x10xf32> -> vector<32x10xf32>
    %reduce_max3A_348 = arith.constant dense<0xFF800000> : vector<32xf32>
    %reduce_max3A_349 = vector.multi_reduction <maximumf>, %dot_general3A_347, %reduce_max3A_348 [1] : vector<32x10xf32> to vector<32xf32>
    %broadcast_in_dim3A_350 = vector.shape_cast %reduce_max3A_349 : vector<32xf32> to vector<32x1xf32>
    %sub3A_351 = vector.broadcast %broadcast_in_dim3A_350 : vector<32x1xf32> to vector<32x10xf32>
    %sub3A_352 = arith.subf %dot_general3A_347, %sub3A_351 : vector<32x10xf32>
    %exp3A_353 = math.exp %sub3A_352 : vector<32x10xf32>
    %reduce_sum3A_354 = arith.constant dense<0.000000e+00> : vector<32xf32>
    %reduce_sum3A_355 = vector.multi_reduction <add>, %exp3A_353, %reduce_sum3A_354 [1] : vector<32x10xf32> to vector<32xf32>
    %broadcast_in_dim3A_356 = vector.shape_cast %reduce_sum3A_355 : vector<32xf32> to vector<32x1xf32>
    %div3A_357 = vector.broadcast %broadcast_in_dim3A_356 : vector<32x1xf32> to vector<32x10xf32>
    %div3A_358 = arith.divf %exp3A_353, %div3A_357 : vector<32x10xf32>
    %convert_element_type3A_359 = arith.truncf %div3A_358 : vector<32x10xf32> to vector<32x10xbf16>
    %dot_general3A_360 = arith.constant dense<0.000000e+00> : vector<32x64xf32>
    %dot_general3A_361 = tpu.matmul %convert_element_type3A_359, %convert_element_type3A_345, %dot_general3A_360 {dimension_numbers = #tpu.dot_dimension_numbers<[1], [0], [0], [1], [0, 0, 1, 1], [], []>, transpose_lhs_hint = false} : vector<32x10xbf16>, vector<10x64xbf16>, vector<32x64xf32> -> vector<32x64xf32>
    %swap3A_362 = arith.constant 0 : index
    %swap3A_363 = arith.constant 0 : index
    %swap3A_364 = arith.constant 768 : index
    %swap3A_365 = vector.load %arg4[%swap3A_362, %swap3A_363, %swap3A_364] : memref<1x32x1024xf32, #tpu.memory_space<vmem>>, vector<1x32x64xf32>
    %swap3A_366 = vector.shape_cast %swap3A_365 : vector<1x32x64xf32> to vector<32x64xf32>
    %swap3A_367 = vector.shape_cast %dot_general3A_361 : vector<32x64xf32> to vector<1x32x64xf32>
    tpu.vector_store %arg4[%swap3A_362, %swap3A_363, %swap3A_364], %swap3A_367 {strides = array<i32>} : memref<1x32x1024xf32, #tpu.memory_space<vmem>>, vector<1x32x64xf32>,
    %slice3A_368 = vector.extract_strided_slice %get3A_3 {offsets = [0, 832], sizes = [32, 64], strides = [1, 1]} : vector<32x1024xf32> to vector<32x64xf32>
    %convert_element_type3A_369 = arith.truncf %slice3A_368 : vector<32x64xf32> to vector<32x64xbf16>
    %slice3A_370 = vector.extract_strided_slice %get3A_8 {offsets = [0, 832], sizes = [10, 64], strides = [1, 1]} : vector<10x1024xf32> to vector<10x64xf32>
    %convert_element_type3A_371 = arith.truncf %slice3A_370 : vector<10x64xf32> to vector<10x64xbf16>
    %slice3A_372 = vector.extract_strided_slice %get3A_13 {offsets = [0, 832], sizes = [10, 64], strides = [1, 1]} : vector<10x1024xf32> to vector<10x64xf32>
    %convert_element_type3A_373 = arith.truncf %slice3A_372 : vector<10x64xf32> to vector<10x64xbf16>
    %dot_general3A_374 = arith.constant dense<0.000000e+00> : vector<32x10xf32>
    %dot_general3A_375 = tpu.matmul %convert_element_type3A_369, %convert_element_type3A_371, %dot_general3A_374 {dimension_numbers = #tpu.dot_dimension_numbers<[1], [1], [0], [0], [0, 0, 1, 0], [], []>, transpose_lhs_hint = false} : vector<32x64xbf16>, vector<10x64xbf16>, vector<32x10xf32> -> vector<32x10xf32>
    %reduce_max3A_376 = arith.constant dense<0xFF800000> : vector<32xf32>
    %reduce_max3A_377 = vector.multi_reduction <maximumf>, %dot_general3A_375, %reduce_max3A_376 [1] : vector<32x10xf32> to vector<32xf32>
    %broadcast_in_dim3A_378 = vector.shape_cast %reduce_max3A_377 : vector<32xf32> to vector<32x1xf32>
    %sub3A_379 = vector.broadcast %broadcast_in_dim3A_378 : vector<32x1xf32> to vector<32x10xf32>
    %sub3A_380 = arith.subf %dot_general3A_375, %sub3A_379 : vector<32x10xf32>
    %exp3A_381 = math.exp %sub3A_380 : vector<32x10xf32>
    %reduce_sum3A_382 = arith.constant dense<0.000000e+00> : vector<32xf32>
    %reduce_sum3A_383 = vector.multi_reduction <add>, %exp3A_381, %reduce_sum3A_382 [1] : vector<32x10xf32> to vector<32xf32>
    %broadcast_in_dim3A_384 = vector.shape_cast %reduce_sum3A_383 : vector<32xf32> to vector<32x1xf32>
    %div3A_385 = vector.broadcast %broadcast_in_dim3A_384 : vector<32x1xf32> to vector<32x10xf32>
    %div3A_386 = arith.divf %exp3A_381, %div3A_385 : vector<32x10xf32>
    %convert_element_type3A_387 = arith.truncf %div3A_386 : vector<32x10xf32> to vector<32x10xbf16>
    %dot_general3A_388 = arith.constant dense<0.000000e+00> : vector<32x64xf32>
    %dot_general3A_389 = tpu.matmul %convert_element_type3A_387, %convert_element_type3A_373, %dot_general3A_388 {dimension_numbers = #tpu.dot_dimension_numbers<[1], [0], [0], [1], [0, 0, 1, 1], [], []>, transpose_lhs_hint = false} : vector<32x10xbf16>, vector<10x64xbf16>, vector<32x64xf32> -> vector<32x64xf32>
    %swap3A_390 = arith.constant 0 : index
    %swap3A_391 = arith.constant 0 : index
    %swap3A_392 = arith.constant 832 : index
    %swap3A_393 = vector.load %arg4[%swap3A_390, %swap3A_391, %swap3A_392] : memref<1x32x1024xf32, #tpu.memory_space<vmem>>, vector<1x32x64xf32>
    %swap3A_394 = vector.shape_cast %swap3A_393 : vector<1x32x64xf32> to vector<32x64xf32>
    %swap3A_395 = vector.shape_cast %dot_general3A_389 : vector<32x64xf32> to vector<1x32x64xf32>
    tpu.vector_store %arg4[%swap3A_390, %swap3A_391, %swap3A_392], %swap3A_395 {strides = array<i32>} : memref<1x32x1024xf32, #tpu.memory_space<vmem>>, vector<1x32x64xf32>,
    %slice3A_396 = vector.extract_strided_slice %get3A_3 {offsets = [0, 896], sizes = [32, 64], strides = [1, 1]} : vector<32x1024xf32> to vector<32x64xf32>
    %convert_element_type3A_397 = arith.truncf %slice3A_396 : vector<32x64xf32> to vector<32x64xbf16>
    %slice3A_398 = vector.extract_strided_slice %get3A_8 {offsets = [0, 896], sizes = [10, 64], strides = [1, 1]} : vector<10x1024xf32> to vector<10x64xf32>
    %convert_element_type3A_399 = arith.truncf %slice3A_398 : vector<10x64xf32> to vector<10x64xbf16>
    %slice3A_400 = vector.extract_strided_slice %get3A_13 {offsets = [0, 896], sizes = [10, 64], strides = [1, 1]} : vector<10x1024xf32> to vector<10x64xf32>
    %convert_element_type3A_401 = arith.truncf %slice3A_400 : vector<10x64xf32> to vector<10x64xbf16>
    %dot_general3A_402 = arith.constant dense<0.000000e+00> : vector<32x10xf32>
    %dot_general3A_403 = tpu.matmul %convert_element_type3A_397, %convert_element_type3A_399, %dot_general3A_402 {dimension_numbers = #tpu.dot_dimension_numbers<[1], [1], [0], [0], [0, 0, 1, 0], [], []>, transpose_lhs_hint = false} : vector<32x64xbf16>, vector<10x64xbf16>, vector<32x10xf32> -> vector<32x10xf32>
    %reduce_max3A_404 = arith.constant dense<0xFF800000> : vector<32xf32>
    %reduce_max3A_405 = vector.multi_reduction <maximumf>, %dot_general3A_403, %reduce_max3A_404 [1] : vector<32x10xf32> to vector<32xf32>
    %broadcast_in_dim3A_406 = vector.shape_cast %reduce_max3A_405 : vector<32xf32> to vector<32x1xf32>
    %sub3A_407 = vector.broadcast %broadcast_in_dim3A_406 : vector<32x1xf32> to vector<32x10xf32>
    %sub3A_408 = arith.subf %dot_general3A_403, %sub3A_407 : vector<32x10xf32>
    %exp3A_409 = math.exp %sub3A_408 : vector<32x10xf32>
    %reduce_sum3A_410 = arith.constant dense<0.000000e+00> : vector<32xf32>
    %reduce_sum3A_411 = vector.multi_reduction <add>, %exp3A_409, %reduce_sum3A_410 [1] : vector<32x10xf32> to vector<32xf32>
    %broadcast_in_dim3A_412 = vector.shape_cast %reduce_sum3A_411 : vector<32xf32> to vector<32x1xf32>
    %div3A_413 = vector.broadcast %broadcast_in_dim3A_412 : vector<32x1xf32> to vector<32x10xf32>
    %div3A_414 = arith.divf %exp3A_409, %div3A_413 : vector<32x10xf32>
    %convert_element_type3A_415 = arith.truncf %div3A_414 : vector<32x10xf32> to vector<32x10xbf16>
    %dot_general3A_416 = arith.constant dense<0.000000e+00> : vector<32x64xf32>
    %dot_general3A_417 = tpu.matmul %convert_element_type3A_415, %convert_element_type3A_401, %dot_general3A_416 {dimension_numbers = #tpu.dot_dimension_numbers<[1], [0], [0], [1], [0, 0, 1, 1], [], []>, transpose_lhs_hint = false} : vector<32x10xbf16>, vector<10x64xbf16>, vector<32x64xf32> -> vector<32x64xf32>
    %swap3A_418 = arith.constant 0 : index
    %swap3A_419 = arith.constant 0 : index
    %swap3A_420 = arith.constant 896 : index
    %swap3A_421 = vector.load %arg4[%swap3A_418, %swap3A_419, %swap3A_420] : memref<1x32x1024xf32, #tpu.memory_space<vmem>>, vector<1x32x64xf32>
    %swap3A_422 = vector.shape_cast %swap3A_421 : vector<1x32x64xf32> to vector<32x64xf32>
    %swap3A_423 = vector.shape_cast %dot_general3A_417 : vector<32x64xf32> to vector<1x32x64xf32>
    tpu.vector_store %arg4[%swap3A_418, %swap3A_419, %swap3A_420], %swap3A_423 {strides = array<i32>} : memref<1x32x1024xf32, #tpu.memory_space<vmem>>, vector<1x32x64xf32>,
    %slice3A_424 = vector.extract_strided_slice %get3A_3 {offsets = [0, 960], sizes = [32, 64], strides = [1, 1]} : vector<32x1024xf32> to vector<32x64xf32>
    %convert_element_type3A_425 = arith.truncf %slice3A_424 : vector<32x64xf32> to vector<32x64xbf16>
    %slice3A_426 = vector.extract_strided_slice %get3A_8 {offsets = [0, 960], sizes = [10, 64], strides = [1, 1]} : vector<10x1024xf32> to vector<10x64xf32>
    %convert_element_type3A_427 = arith.truncf %slice3A_426 : vector<10x64xf32> to vector<10x64xbf16>
    %slice3A_428 = vector.extract_strided_slice %get3A_13 {offsets = [0, 960], sizes = [10, 64], strides = [1, 1]} : vector<10x1024xf32> to vector<10x64xf32>
    %convert_element_type3A_429 = arith.truncf %slice3A_428 : vector<10x64xf32> to vector<10x64xbf16>
    %dot_general3A_430 = arith.constant dense<0.000000e+00> : vector<32x10xf32>
    %dot_general3A_431 = tpu.matmul %convert_element_type3A_425, %convert_element_type3A_427, %dot_general3A_430 {dimension_numbers = #tpu.dot_dimension_numbers<[1], [1], [0], [0], [0, 0, 1, 0], [], []>, transpose_lhs_hint = false} : vector<32x64xbf16>, vector<10x64xbf16>, vector<32x10xf32> -> vector<32x10xf32>
    %reduce_max3A_432 = arith.constant dense<0xFF800000> : vector<32xf32>
    %reduce_max3A_433 = vector.multi_reduction <maximumf>, %dot_general3A_431, %reduce_max3A_432 [1] : vector<32x10xf32> to vector<32xf32>
    %broadcast_in_dim3A_434 = vector.shape_cast %reduce_max3A_433 : vector<32xf32> to vector<32x1xf32>
    %sub3A_435 = vector.broadcast %broadcast_in_dim3A_434 : vector<32x1xf32> to vector<32x10xf32>
    %sub3A_436 = arith.subf %dot_general3A_431, %sub3A_435 : vector<32x10xf32>
    %exp3A_437 = math.exp %sub3A_436 : vector<32x10xf32>
    %reduce_sum3A_438 = arith.constant dense<0.000000e+00> : vector<32xf32>
    %reduce_sum3A_439 = vector.multi_reduction <add>, %exp3A_437, %reduce_sum3A_438 [1] : vector<32x10xf32> to vector<32xf32>
    %broadcast_in_dim3A_440 = vector.shape_cast %reduce_sum3A_439 : vector<32xf32> to vector<32x1xf32>
    %div3A_441 = vector.broadcast %broadcast_in_dim3A_440 : vector<32x1xf32> to vector<32x10xf32>
    %div3A_442 = arith.divf %exp3A_437, %div3A_441 : vector<32x10xf32>
    %convert_element_type3A_443 = arith.truncf %div3A_442 : vector<32x10xf32> to vector<32x10xbf16>
    %dot_general3A_444 = arith.constant dense<0.000000e+00> : vector<32x64xf32>
    %dot_general3A_445 = tpu.matmul %convert_element_type3A_443, %convert_element_type3A_429, %dot_general3A_444 {dimension_numbers = #tpu.dot_dimension_numbers<[1], [0], [0], [1], [0, 0, 1, 1], [], []>, transpose_lhs_hint = false} : vector<32x10xbf16>, vector<10x64xbf16>, vector<32x64xf32> -> vector<32x64xf32>
    %swap3A_446 = arith.constant 0 : index
    %swap3A_447 = arith.constant 0 : index
    %swap3A_448 = arith.constant 960 : index
    %swap3A_449 = vector.load %arg4[%swap3A_446, %swap3A_447, %swap3A_448] : memref<1x32x1024xf32, #tpu.memory_space<vmem>>, vector<1x32x64xf32>
    %swap3A_450 = vector.shape_cast %swap3A_449 : vector<1x32x64xf32> to vector<32x64xf32>
    %swap3A_451 = vector.shape_cast %dot_general3A_445 : vector<32x64xf32> to vector<1x32x64xf32>
    tpu.vector_store %arg4[%swap3A_446, %swap3A_447, %swap3A_448], %swap3A_451 {strides = array<i32>} : memref<1x32x1024xf32, #tpu.memory_space<vmem>>, vector<1x32x64xf32>,
    return
  }
  func.func @transform_0(%arg0: i32) -> (i32, i32, i32) {
    %c0_i32 = arith.constant 0 : i32
    %c0_i32_0 = arith.constant 0 : i32
    %c0_i32_1 = arith.constant 0 : i32
    return %arg0, %c0_i32, %c0_i32_0 : i32, i32, i32
  }
  func.func @transform_1(%arg0: i32) -> (i32, i32, i32) {
    %c0_i32 = arith.constant 0 : i32
    %c0_i32_0 = arith.constant 0 : i32
    %c0_i32_1 = arith.constant 0 : i32
    return %arg0, %c0_i32, %c0_i32_0 : i32, i32, i32
  }
  func.func @transform_2(%arg0: i32) -> (i32, i32, i32) {
    %c0_i32 = arith.constant 0 : i32
    %c0_i32_0 = arith.constant 0 : i32
    %c0_i32_1 = arith.constant 0 : i32
    return %arg0, %c0_i32, %c0_i32_0 : i32, i32, i32
  }
  func.func @transform_3(%arg0: i32) -> (i32, i32, i32) {
    %c0_i32 = arith.constant 0 : i32
    %c0_i32_0 = arith.constant 0 : i32
    %c0_i32_1 = arith.constant 0 : i32
    return %arg0, %c0_i32, %c0_i32_0 : i32, i32, i32
  }
}

</mosaic_0001>

<sc_bundles>
// kernel: kernel.5.cloned.1.call-start
scs
__scs_entry_jumppad:
0x0: {  	(pc) =	sbr.rel $0x88, $3  }
0x1: {  	(tag) =	ssettag $0x0;
	lr =	simm.s32 $0x1  }
0x2: {  	[smem:$0x3F9E] =	sst lr;
	_ =	strace $0xD0000000  }
0x3: {  	_ = 	snop  }
0x4: {  	_ = 	snop  }
0x5: {  	_ = 	snop  }
0x6: {  	_ = 	snop  }
0x7: {  	_ = 	snop  }
__scs_overlays_trampoline_lowered:
0x8: {  	[smem:$0x3FAD] =	sst s0  }
0x9: {  	[smem:$0x3FAE] =	sst s1  }
0xa: {  	[smem:$0x3FAF] =	sst s2  }
0xb: {  	[smem:$0x3FB0] =	sst s3  }
0xc: {  	[smem:$0x3FB1] =	sst s4  }
0xd: {  	[smem:$0x3FB2] =	sst s5  }
0xe: {  	[smem:$0x3FB3] =	sst s6  }
0xf: {  	[smem:$0x3FB4] =	sst s7  }
0x10: {  	[smem:$0x3FB5] =	sst s8  }
0x11: {  	[smem:$0x3FB6] =	sst s9;
	s0 =	simm.s32 @!p0 $0x0  }
0x12: {  	s1 =	sld [smem:$0x3F9C];
	s0 =	simm.s32 @p0 $0x1  }
0x13: {  	[smem:$0x3FB7] =	sst s0;
	s0 =	simm.s32 @!p1 $0x0  }
0x14: {  	s2 =	sld [smem:$0x3F9B];
	s0 =	simm.s32 @p1 $0x1  }
0x15: {  	[smem:$0x3FB8] =	sst s0;
	s0 =	simm.s32 @!p2 $0x0  }
0x16: {  	s3 =	sld [smem:$0x3FDB];
	s0 =	simm.s32 @p2 $0x1  }
0x17: {  	s4 =	simm.s32 $0x1BF5;
	[smem:$0x3FBA] =	sst s0  }
0x18: {  	s0 =	sld [smem:$0x3F9D];
	_ =	swait.ge [sflag:s4], $0x0  }
0x19: {  	s7 =	sld [smem:$0x3F9E]  }
0x1a: {  	s8 =	sadd.s32 $0xFFFFE003, lr  }
0x1b: {  	s9 =	sadd.s32 $0xFFFFFEF7, lr;
	s5 =	simm.s32 $0xFFFFFFFF;
	p2 =	slt.u32 s8, $0xFFFFF086  }
0x1c: {  	p1 =	slt.u32 s9, $0xF7A;
	s5 =	simm.s32 @!p2 $0x0  }
0x1d: {  	s5 =	simm.s32 @p1 $0x1;
	p0 =	seq.s32 s7, s2  }
0x1e: {  	s7 =	smul.u32 @!p0 $0xF7A, s2;
	p2 =	seq.s32 @!p0 s5, $0x0  }
0x1f: {  	s9 =	smul.u32 $0xF7A, s1;
	s8 =	simm.s32 @!p0 $0x1BF5;
	p2 =	por !p2, p0  }
0x20: {  	[sflag:s8] =	ssyncset.s32 @!p0 $0xFFFFF086;
	s6 =	sadd.s32 @!p0 s3, s7;
	s7 =	simm.s32 @!p0 $0x108  }
0x21: {  	s3 =	sadd.s32 s3, s9;
	s6 =	sadd.s32 @!p0 $0x88, s6;
	s7 =	simm.s32 @p2 $0x1082  }
0x22: {  	[simem:s7], [sflag:s8] =	dma.local @!p0 [hbm:s6], $0xF7A  }
0x23: {  	s9 =	sor.u32 $0xD0000000, s2;
	s6 =	simm.s32 $0x108;
	_ =	swait.ge @!p0 [sflag:s8], $0x0  }
0x24: {  	s3 =	sadd.s32 $0x88, s3;
	s6 =	simm.s32 @!p1 $0x1082;
	[sflag:s4] =	ssyncset.s32 $0xFFFFF086  }
0x25: {  	[simem:s6], [sflag:s4] =	dma.local [hbm:s3], $0xF7A  }
0x26: {  	[smem:$0x3F9E] =	sst s1;
	(tag) =	ssettag s2;
	_ =	strace s9  }
0x27: {  	s1 =	sld [smem:$0x3FAE]  }
0x28: {  	s2 =	sld [smem:$0x3FAF]  }
0x29: {  	s4 =	sld [smem:$0x3FB1]  }
0x2a: {  	p0 =	seq.s32 s5, $0x0;
	s5 =	sld [smem:$0x3FB2]  }
0x2b: {  	s6 =	sld [smem:$0x3FB3]  }
0x2c: {  	s7 =	sld [smem:$0x3FB4]  }
0x2d: {  	s3 =	simm.s32 $0x108;
	s8 =	sld [smem:$0x3FB5]  }
0x2e: {  	s3 =	simm.s32 @!p0 $0x1082;
	s9 =	sld [smem:$0x3FB6]  }
0x2f: {  	lr =	sadd.s32 s0, s3;
	s0 =	sld [smem:$0x3FAD]  }
0x30: {  	s3 =	sld [smem:$0x3FB0]  }
0x31: {  	[smem:$0x3FB9] =	sst s10  }
0x32: {  	s10 =	sld [smem:$0x3FB7];
	_ =	sdelay $0x3  }
0x33: {  	p0 =	seq.s32 s10, $0x1;
	s10 =	sld [smem:$0x3FB9];
	_ =	sdelay $0x3  }
0x34: {  	[smem:$0x3FB9] =	sst s10  }
0x35: {  	s10 =	sld [smem:$0x3FB8];
	_ =	sdelay $0x3  }
0x36: {  	p1 =	seq.s32 s10, $0x1;
	s10 =	sld [smem:$0x3FB9];
	_ =	sdelay $0x3  }
0x37: {  	[smem:$0x3FB9] =	sst s10  }
0x38: {  	s10 =	sld [smem:$0x3FBA]  }
0x39: {  	_ = 	snop;
	(pc) =	sbr.ind lr, $3  }
0x3a: {  	_ = 	snop  }
0x3b: {  	_ = 	snop  }
0x3c: {  	p2 =	seq.s32 s10, $0x1;
	s10 =	sld [smem:$0x3FB9]  }
0x3d: {  	_ =	shalt  }
0x3e: {  	_ =	shalt  }
0x3f: {  	_ =	shalt  }
0x40: {  	_ =	shalt  }
0x41: {  	_ =	shalt  }
0x42: {  	_ =	shalt  }
0x43: {  	_ =	shalt  }
0x44: {  	_ =	shalt  }
0x45: {  	_ =	shalt  }
0x46: {  	_ =	shalt  }
0x47: {  	_ =	shalt  }
0x48: {  	_ =	shalt  }
0x49: {  	_ =	shalt  }
0x4a: {  	_ =	shalt  }
0x4b: {  	_ =	shalt  }
0x4c: {  	_ =	shalt  }
0x4d: {  	_ =	shalt  }
0x4e: {  	_ =	shalt  }
0x4f: {  	_ =	shalt  }
0x50: {  	_ =	shalt  }
0x51: {  	_ =	shalt  }
0x52: {  	_ =	shalt  }
0x53: {  	_ =	shalt  }
0x54: {  	_ =	shalt  }
0x55: {  	_ =	shalt  }
0x56: {  	_ =	shalt  }
0x57: {  	_ =	shalt  }
0x58: {  	_ =	shalt  }
0x59: {  	_ =	shalt  }
0x5a: {  	_ =	shalt  }
0x5b: {  	_ =	shalt  }
0x5c: {  	_ =	shalt  }
0x5d: {  	_ =	shalt  }
0x5e: {  	_ =	shalt  }
0x5f: {  	_ =	shalt  }
0x60: {  	_ =	shalt  }
0x61: {  	_ =	shalt  }
0x62: {  	_ =	shalt  }
0x63: {  	_ =	shalt  }
0x64: {  	_ =	shalt  }
0x65: {  	_ =	shalt  }
0x66: {  	_ =	shalt  }
0x67: {  	_ =	shalt  }
0x68: {  	_ =	shalt  }
0x69: {  	_ =	shalt  }
0x6a: {  	_ =	shalt  }
0x6b: {  	_ =	shalt  }
0x6c: {  	_ =	shalt  }
0x6d: {  	_ =	shalt  }
0x6e: {  	_ =	shalt  }
0x6f: {  	_ =	shalt  }
0x70: {  	_ =	shalt  }
0x71: {  	_ =	shalt  }
0x72: {  	_ =	shalt  }
0x73: {  	_ =	shalt  }
0x74: {  	_ =	shalt  }
0x75: {  	_ =	shalt  }
0x76: {  	_ =	shalt  }
0x77: {  	_ =	shalt  }
0x78: {  	_ =	shalt  }
0x79: {  	_ =	shalt  }
0x7a: {  	_ =	shalt  }
0x7b: {  	_ =	shalt  }
0x7c: {  	_ =	shalt  }
0x7d: {  	_ =	shalt  }
0x7e: {  	_ =	shalt  }
0x7f: {  	_ =	shalt  }
0x80: {  	_ =	shalt  }
0x81: {  	_ =	shalt  }
0x82: {  	_ =	shalt  }
0x83: {  	_ =	shalt  }
0x84: {  	_ =	shalt  }
0x85: {  	_ =	shalt  }
0x86: {  	_ =	shalt  }
0x87: {  	_ =	shalt  }
.Lfunc_end0:
.L_simem_size_0:
called_computation_lowered:
.L_overlay_start_0:
0x88: {  	s2 =	sld [smem:$0x3FD9]  }
0x89: {  	s3 =	sld [smem:$0x3FFE];
	_ =	sdelay $0x1  }
0x8a: {  	s1 =	srdreg.scid  }
0x8b: {  	s0 =	sand.u32 $0x1, s1  }
0x8c: {  	s17 =	sshll.u32 s0, $0xA;
	s2 =	sadd.s32 s3, s2  }
0x8d: {  	s2 =	sadd.s32 s2, s17  }
0x8e: {  	[smem:$0x3FC5] =	sst s2  }
0x8f: {  	_ = 	snop  }
0x90: {  	s2 =	sld [smem:$0x3FC8]  }
0x91: {  	s18 =	sld [smem:$0x3FC7]  }
0x92: {  	s4 =	sld [smem:$0x3FD0];
	(tm) =	ssettm $0x1  }
0x93: {  	s5 =	sld [smem:$0x3FFB];
	_ =	sdelay $0x3  }
0x94: {  	_ =	strace s5  }
0x95: {  	s5 =	sld [smem:$0x3FFC];
	_ =	sdelay $0x3  }
0x96: {  	_ =	strace s5  }
0x97: {  	s5 =	sld [smem:$0x3FFD];
	_ =	sdelay $0x3  }
0x98: {  	_ =	strace s5  }
0x99: {  	_ =	strace $0x8FFFFFFF  }
0x9a: {  	s19 =	sld [smem:$0x3FDB];
	_ =	sdelay $0x1  }
0x9b: {  	s6 =	simm.s32 $_scs_section_size  }
0x9c: {  	s7 =	simm.s32 $_size__tile_overlayer_lowered;
	s8 =	simm.s32 $_tile_overlayer_lowered  }
0x9d: {  	s22 =	simm.s32 $0x1BFF;
	s21 =	sshll.u32 s8, $0x1;
	s5 =	sadd.s32 s6, s19  }
0x9e: {  	s9 =	simm.s32 $0x0;
	s20 =	sshll.u32 s7, $0x1;
	s7 =	sadd.s32 s21, s5  }
0x9f: {  	[timem:s9], [sflag:s22] =	dma.local [hbm:s7], s20  }
0xa0: {  	_ =	swait.ge [sflag:s22], s20  }
0xa1: {  	s6 =	ssub.s32 $0x0, s20;
	[sflag:s22] =	ssyncset.done $0x0  }
0xa2: {  	[sflag:s22] =	ssyncadd.s32 s6;
	_ =	sdelay $0x1  }
0xa3: {  	s23 =	simm.s32 $0x1B8B  }
0xa4: {  	_ =	swait.ge [sflag:s23], $0x1  }
0xa5: {  	[sflag:s23] =	ssyncset.done $0x0  }
0xa6: {  	s25 =	simm.s32 $0x1B8E;
	s24 =	sld [smem:$0x3FFE];
	[sflag:s23] =	ssyncadd.s32 $0xFFFFFFFF  }
0xa7: {  	s26 =	simm.s32 $execute0_lowered;
	[smem:$0x3FD2] =	sst s25  }
0xa8: {  	s7 =	sshll.u32 s26, $0x1;
	_ =	strace $0x80000046;
	[dreg:$0x1] =	wrdreg $0xFFFFFFFF  }
0xa9: {  	s28 =	simm.s32 $_size_execute0_lowered;
	s5 =	sadd.s32 s5, s7;
	[dreg:$0x0] =	wrdreg $0x0  }
0xaa: {  	s7 =	sshll.u32 s28, $0x1;
	[dreg:$0x2] =	wrdreg s5  }
0xab: {  	[dreg:$0x3] =	wrdreg s7  }
0xac: {  	[dreg:$0x4] =	wrdreg $0xC0  }
0xad: {  	_ =	task [dreg:s9], $0x5FFFF  }
0xae: {  	[dreg:$0x1] =	wrdreg $0xFFFFFFFF  }
0xaf: {  	[dreg:$0x0] =	wrdreg $0x60  }
0xb0: {  	[dreg:$0x2] =	wrdreg s24  }
0xb1: {  	[dreg:$0x3] =	wrdreg s2  }
0xb2: {  	[dreg:$0x4] =	wrdreg s18  }
0xb3: {  	[dreg:$0x5] =	wrdreg s4  }
0xb4: {  	[dreg:$0x6] =	wrdreg $0x9  }
0xb5: {  	_ =	task.clear_ibuf [dreg:s9], $0x7FFFF;
	_ =	strace $0x90000046  }
0xb6: {  	s29 =	simm.s32 $0x9;
	_ =	strace $0x80000048  }
0xb7: {  	_ =	swait.ge [sflag:s29], $0x1  }
0xb8: {  	[sflag:s29] =	ssyncadd.s32 $0xFFFFFFFF  }
0xb9: {  	_ =	strace $0x90000048  }
0xba: {  	_ =	sfence  }
0xbb: {  	s30 =	sld [smem:$0x0];
	_ =	sdelay $0x2  }
0xbc: {  	s31 =	sshll.u32 s1, $0xD;
	s1 =	sshrl.u32 s1, $0x2  }
0xbd: {  	s3 =	sand.u32 $0x4000, s31;
	s1 =	sadd.s32 s1, s30  }
0xbe: {  	s0 =	sor.u32 s3, s0;
	s1 =	sshll.u32 s1, $0x11  }
0xbf: {  	s0 =	sor.u32 s1, s0  }
0xc0: {  	s0 =	sadd.s32 $0x8F2B, s0  }
0xc1: {  	[sflag:s0] =	ssyncadd.remote.s32 $0x1  }
0xc2: {  	_ =	sfence.sel $0xFFFF  }
0xc3: {  	[dreg:$0x0] =	wrdreg $0xFFFFFFFF;
	(pc) =	sbr.abs _section_cstart, $3  }
0xc4: {  	[dreg:$0x1] =	wrdreg $0xFFFFFFFF  }
0xc5: {  	_ =	task.clear_ibuf [dreg:s9], $0x2FFFF;
	_ =	strace $0x9FFFFFFF  }
0xc6: {  	(tm) =	ssettm $0x7FFFFFFF  }
0xc7: {  	_ =	shalt  }
tec
execute0_lowered:
.L_overlay_start_1:
0x0: {  	(tag) =	ssettag $0x1  }
0x1: {  	s2 =	rddreg [dreg:$0x0]  }
0x2: {  	s1 =	rddreg [dreg:$0x1]  }
0x3: {  	s3 =	rddreg [dreg:$0x2];
	s4 =	srdreg.scid  }
0x4: {  	s0 =	stileid.u32;
	s11 =	rddreg [dreg:$0x3]  }
0x5: {  	s14 =	simm.s32 $0x2;
	s15 =	simm.s32 $0x80;
	s16 =	simm.s32 $0x880  }
0x6: {  	s17 =	simm.s32 $0x1080;
	s18 =	simm.s32 $0x1880;
	s19 =	simm.s32 $0x2080  }
0x7: {  	s20 =	simm.s32 $0x2880;
	s21 =	simm.s32 $0x3080;
	s22 =	simm.s32 $0x3880  }
0x8: {  	s23 =	simm.s32 $0x1;
	s24 =	simm.s32 $0x4080;
	s25 =	simm.s32 $0x4880  }
0x9: {  	s28 =	simm.s32 $0x5880;
	s29 =	simm.s32 $0x6080;
	s30 =	simm.s32 $0x6880  }
0xa: {  	s31 =	simm.s32 $0x7080;
	s5 =	sand.u32 $0x1, s4;
	s6 =	sshll.u32 s0, $0x1  }
0xb: {  	s4 =	simm.s32 $0x0;
	s8 =	sadd.s32 $0x100, s3;
	s9 =	sadd.s32 $0x200, s3  }
0xc: {  	s10 =	sadd.s32 $0x300, s3;
	s6 =	sor.u32 s5, s6;
	[smem:$0x7FF] =	sst s4  }
0xd: {  	s5 =	ssub.s32 $0x2, s5;
	s7 =	sshll.u32 s6, $0x4;
	_ =	strace $0x80000047  }
0xe: {  	s12 =	sshll.u32 s6, $0xB;
	s26 =	sshrl.u32 s5, $0x1;
	s6 =	sadd.s32 $0x200, s1  }
0xf: {  	s7 =	sadd.s32 s7, s2;
	s2 =	sadd.s32 s12, s2;
	s13 =	ssub.s32 s5, s26  }
0x10: {  	v2 =	vlaneseq.u32;
	s5 =	sadd.s32 $0x100, s1;
	s11 =	sadd.s32 s11, s12;
	s26 =	simm.s32 $0x5080  }
0x11: {  	vm0 =	vmmov $0xffff;
	v1 =	vshrl.u32 v2, $0x3;
	s7 =	sadd.s32 $0x1000, s7;
	s12 =	sadd.s32 $0x1200, s2;
	s13 =	smax.u32 s13, $0x1  }
0x12: {  	v0 =	vand.u32 $0x7, v2;
	v2 =	vor.u32 $0x8, v2;
	v1 =	vmul.u32 $0x8, v1;
	s2 =	simm.s32 $0x7880;
	[dreg:$0x5] =	wrdreg s7;
	s7 =	sadd.s32 $0x300, s1  }
.LBB2_1:
0x13: {  	s0 =	rddreg [dreg:$0x5]  }
0x14: {  	[tilespmem:s4], [sflag:$0x2] =	stream.linear.gather [hbm4b:s0+s4], $0x80, $0x38;
	[tilespmem:$0x8080] =	vst v63  }
0x15: {  	_ =	swait.ge [sflag:s14], $0x80  }
0x16: {  	[sflag:s14] =	ssyncset.done $0x0  }
0x17: {  	[sflag:s14] =	ssyncadd.s32 $0xFFFFFF80  }
0x18: {  	v3 =	vld [tilespmem:$0x0];
	_ =	sdelay $0x4  }
0x19: {  	v4 =	vshll.u32 v3, $0x3  }
0x1a: {  	v3 =	vand.u32 $0x7, v3;
	v4 =	vand.u32 $0xFFFFFFC0, v4  }
0x1b: {  	v3 =	vor.u32 v3, v4  }
0x1c: {  	v4 =	vperm.xlane v3, v0;
	_ =	sdelay $0x1  }
0x1d: {  	v4 =	vadd.s32 v1, v4;
	_ =	sdelay $0x4  }
0x1e: {  	[tilespmem:s15], [sflag:$0x1] =	stream.indirect_vreg.gather [hbm4b:s1+s4], $0x80, v4, vm0, $0xb8;
	[tilespmem:$0x8080] =	vst v63  }
0x1f: {  	v3 =	vperm.xlane v3, v2  }
0x20: {  	[tilespmem:s16], [sflag:$0x1] =	stream.indirect_vreg.gather [hbm4b:s5+s4], $0x80, v4, vm0, $0xb8;
	[tilespmem:$0x8080] =	vst v63  }
0x21: {  	v3 =	vadd.s32 v1, v3  }
0x22: {  	[tilespmem:s17], [sflag:$0x1] =	stream.indirect_vreg.gather [hbm4b:s6+s4], $0x80, v4, vm0, $0xb8;
	[tilespmem:$0x8080] =	vst v63  }
0x23: {  	_ = 	snop  }
0x24: {  	[tilespmem:s18], [sflag:$0x1] =	stream.indirect_vreg.gather [hbm4b:s7+s4], $0x80, v4, vm0, $0xb8;
	[tilespmem:$0x8080] =	vst v63  }
0x25: {  	_ = 	snop  }
0x26: {  	[tilespmem:s19], [sflag:$0x1] =	stream.indirect_vreg.gather [hbm4b:s1+s4], $0x80, v3, vm0, $0xb8;
	[tilespmem:$0x8080] =	vst v63  }
0x27: {  	_ = 	snop  }
0x28: {  	[tilespmem:s20], [sflag:$0x1] =	stream.indirect_vreg.gather [hbm4b:s5+s4], $0x80, v3, vm0, $0xb8;
	[tilespmem:$0x8080] =	vst v63  }
0x29: {  	_ = 	snop  }
0x2a: {  	[tilespmem:s21], [sflag:$0x1] =	stream.indirect_vreg.gather [hbm4b:s6+s4], $0x80, v3, vm0, $0xb8;
	[tilespmem:$0x8080] =	vst v63  }
0x2b: {  	_ = 	snop  }
0x2c: {  	[tilespmem:s22], [sflag:$0x1] =	stream.indirect_vreg.gather [hbm4b:s7+s4], $0x80, v3, vm0, $0xb8;
	[tilespmem:$0x8080] =	vst v63  }
0x2d: {  	_ =	swait.ge [sflag:s23], $0x4000  }
0x2e: {  	[sflag:s23] =	ssyncset.done $0x0  }
0x2f: {  	[sflag:s23] =	ssyncadd.s32 $0xFFFFC000  }
0x30: {  	v3 =	vld [tilespmem:$0x0];
	_ =	sdelay $0x4  }
0x31: {  	v63 =	vshll.u32 v3, $0x3  }
0x32: {  	v3 =	vand.u32 $0x7, v3;
	v4 =	vand.u32 $0xFFFFFFC0, v63  }
0x33: {  	v3 =	vor.u32 v3, v4  }
0x34: {  	v4 =	vperm.xlane v3, v0;
	_ =	sdelay $0x1  }
0x35: {  	v4 =	vadd.s32 v1, v4;
	_ =	sdelay $0x4  }
0x36: {  	[tilespmem:s24], [sflag:$0x1] =	stream.indirect_vreg.gather [hbm4b:s3+s4], $0x80, v4, vm0, $0xb8;
	[tilespmem:$0x8080] =	vst v63  }
0x37: {  	v3 =	vperm.xlane v3, v2  }
0x38: {  	[tilespmem:s25], [sflag:$0x1] =	stream.indirect_vreg.gather [hbm4b:s8+s4], $0x80, v4, vm0, $0xb8;
	[tilespmem:$0x8080] =	vst v63  }
0x39: {  	v3 =	vadd.s32 v1, v3  }
0x3a: {  	[tilespmem:s26], [sflag:$0x1] =	stream.indirect_vreg.gather [hbm4b:s9+s4], $0x80, v4, vm0, $0xb8;
	[tilespmem:$0x8080] =	vst v63  }
0x3b: {  	_ = 	snop  }
0x3c: {  	[tilespmem:s28], [sflag:$0x1] =	stream.indirect_vreg.gather [hbm4b:s10+s4], $0x80, v4, vm0, $0xb8;
	[tilespmem:$0x8080] =	vst v63  }
0x3d: {  	_ = 	snop  }
0x3e: {  	[tilespmem:s29], [sflag:$0x1] =	stream.indirect_vreg.gather [hbm4b:s3+s4], $0x80, v3, vm0, $0xb8;
	[tilespmem:$0x8080] =	vst v63  }
0x3f: {  	_ = 	snop  }
0x40: {  	[tilespmem:s30], [sflag:$0x1] =	stream.indirect_vreg.gather [hbm4b:s8+s4], $0x80, v3, vm0, $0xb8;
	[tilespmem:$0x8080] =	vst v63  }
0x41: {  	_ = 	snop  }
0x42: {  	[tilespmem:s31], [sflag:$0x1] =	stream.indirect_vreg.gather [hbm4b:s9+s4], $0x80, v3, vm0, $0xb8;
	[tilespmem:$0x8080] =	vst v63  }
0x43: {  	_ = 	snop  }
0x44: {  	[tilespmem:s2], [sflag:$0x1] =	stream.indirect_vreg.gather [hbm4b:s10+s4], $0x80, v3, vm0, $0xb8;
	[tilespmem:$0x8080] =	vst v63  }
0x45: {  	_ =	swait.ge [sflag:s23], $0x4000  }
0x46: {  	[sflag:s23] =	ssyncset.done $0x0  }
0x47: {  	[sflag:s23] =	ssyncadd.s32 $0xFFFFC000  }
0x48: {  	[hbm4b:s11+s4] =	stream.linear.scatter [tilespmem:s15], [sflag:$0x2], $0x4000, $0x38;
	[tilespmem:$0x8080] =	vst v63  }
0x49: {  	_ =	swait.ge [sflag:s14], $0x4000  }
0x4a: {  	p0 =	sne.s32 s13, $0x1;
	[sflag:s14] =	ssyncset.done $0x0  }
.Ltmp0:
0x4b: {  	[sflag:s14] =	ssyncadd.s32 $0xFFFFC000;
	(pc) =	sbr.rel @p0 .LBB2_1-.Ltmp0, $4  }
0x4c: {  	[hbm4b:s12+s4] =	stream.linear.scatter [tilespmem:s24], [sflag:$0x2], $0x4000, $0x38;
	[tilespmem:$0x8080] =	vst v63  }
0x4d: {  	_ =	swait.ge [sflag:s14], $0x4000  }
0x4e: {  	[sflag:s14] =	ssyncset.done $0x0  }
0x4f: {  	s13 =	sadd.s32 $0xFFFFFFFF, s13;
	[sflag:s14] =	ssyncadd.s32 $0xFFFFC000  }
0x50: {  	_ =	sfence.sel $0x180000  }
0x51: {  	[bflag:$0x0] =	sbarrier.arrive $0xFFFF  }
0x52: {  	_ =	strace $0x90000047  }
0x53: {  	s0 =	stileid.u32;
	[bflag:$0x2] =	sbarrier.arrive $0xFFFF  }
0x54: {  	p0 =	sne.s32 s0, $0x0;
	s0 =	rddreg [dreg:$0x4]  }
0x55: {  	s0 =	sadd.s32 @!p0 $0x100000, s0  }
0x56: {  	[sflag:s0] =	ssyncadd.tile.s32 @!p0 $0x1;
	_ =	shalt  }
.Lfunc_end2:
_tile_overlayer_lowered:
.L_overlay_start_2:
0x57: {  	(tag) =	ssettag $0x2  }
0x58: {  	s0 =	rddreg [dreg:$0x0];
	s2 =	stileid.u32  }
0x59: {  	s1 =	rddreg [dreg:$0x1];
	p0 =	sne.s32 s2, $0x0  }
0x5a: {  	s3 =	rddreg [dreg:$0x2];
	[bflag:$0x3] =	sbarrier.arrive $0xFFFF;
	s2 =	simm.s32 @!p0 $0x1C02  }
0x5b: {  	[timem:s3], [sflag:s2] =	dma.local @!p0 [hbm:s0], s1  }
0x5c: {  	s0 =	simm.s32 @!p0 $0x2  }
0x5d: {  	_ =	swait.ge @!p0 [sflag:s0], s1  }
0x5e: {  	s1 =	ssub.s32 @!p0 $0x0, s1;
	[sflag:s0] =	ssyncset.done @!p0 $0x0  }
0x5f: {  	[sflag:s0] =	ssyncadd.s32 @!p0 s1  }
0x60: {  	[bflag:$0x3] =	sbarrier.arrive $0xFFFF  }
0x61: {  	_ =	shalt  }

</sc_bundles>
